<compile_context>
chip_gen: v7x
topology: tpu7x:2x2x1
jax: 0.10.2.dev20260603
libtpu: 0.0.44.dev20260713+nightly
codegen_flags: <defaults>
</compile_context>

<pallas_src>
import functools

import jax
import jax.numpy as jnp
from jax import lax
from jax.experimental import pallas as pl
from jax.experimental.pallas import tpu as pltpu
from jax.experimental.pallas import tpu_sc as plsc

_K = 9
_N = 16384
_Q1 = 256
_G = 64
_W = 256
_Q2 = 2048
_D = 16


def _k1_body(xq_ref, xrows_ref, out_ref):
    xq = xq_ref[...]
    rows = xrows_ref[...]

    qb = xq[:, 0:3].astype(jnp.bfloat16)
    rb = rows[0:3, :].astype(jnp.bfloat16)
    cross = lax.dot_general(qb, rb, (((1,), (0,)), ((), ())),
                            preferred_element_type=jnp.float32)
    d = (xq[:, 3:4] + rows[3:4, :]) - 2.0 * cross

    d3 = d.reshape(_Q1, _G, _W)
    gio = lax.broadcasted_iota(jnp.int32, (_Q1, _G, _W), 1)
    lane = lax.broadcasted_iota(jnp.int32, (_Q1, _W), 1)
    inf = jnp.float32(jnp.inf)

    m0 = jnp.min(d3, axis=1)
    g0 = jnp.min(jnp.where(d3 == m0[:, None, :], gio, _G), axis=1)
    k0 = gio == g0[:, None, :]
    m1 = jnp.min(jnp.where(k0, inf, d3), axis=1)
    g1 = jnp.min(jnp.where((d3 == m1[:, None, :]) & ~k0, gio, _G), axis=1)
    k1 = k0 | (gio == g1[:, None, :])
    m2 = jnp.min(jnp.where(k1, inf, d3), axis=1)
    g2 = jnp.min(jnp.where((d3 == m2[:, None, :]) & ~k1, gio, _G), axis=1)
    cvals = [m0, m1, m2]
    ccols = [g0 * _W + lane, g1 * _W + lane, g2 * _W + lane]
    cv = jnp.concatenate(cvals, axis=1)
    cc = jnp.concatenate(ccols, axis=1)

    outs = []
    for _ in range(_K):
        m = jnp.min(cv, axis=1, keepdims=True)
        c = jnp.min(jnp.where(cv == m, cc, _N), axis=1, keepdims=True)
        cv = jnp.where(cc == c, inf, cv)
        outs.append(c)
    outs.append(jnp.zeros((_Q1, 16 - _K), jnp.int32))
    out_ref[...] = jnp.concatenate(outs, axis=1)


def _run_k1(xq8, xrows):
    return pl.pallas_call(
        _k1_body,
        grid=(_N // _Q1,),
        in_specs=[
            pl.BlockSpec((_Q1, 8), lambda i: (i, 0)),
            pl.BlockSpec((8, _N), lambda i: (0, 0)),
        ],
        out_specs=pl.BlockSpec((_Q1, 16), lambda i: (i, 0)),
        out_shape=jax.ShapeDtypeStruct((_N, 16), jnp.int32),
    )(xq8, xrows)


def _sc_gather(tbl128, idx_flat):
    info = plsc.get_sparse_core_info()
    nw = info.num_cores * info.num_subcores
    b = _N * _K
    bpw = b // nw
    nchunk = 8
    cw = bpw // nchunk
    mesh = plsc.VectorSubcoreMesh(core_axis_name="c", subcore_axis_name="s")

    @functools.partial(
        pl.kernel,
        mesh=mesh,
        out_type=jax.ShapeDtypeStruct((b, 128), jnp.float32),
        scratch_types=[
            pltpu.VMEM((cw,), jnp.int32),
            pltpu.VMEM((cw, 128), jnp.float32),
            pltpu.SemaphoreType.DMA,
        ],
    )
    def gather(tbl_hbm, idx_hbm, out_hbm, idxc_v, rows_v, sem):
        wid = lax.axis_index("s") * info.num_cores + lax.axis_index("c")
        base = wid * bpw

        def chunk(i, _):
            o = base + i * cw
            pltpu.sync_copy(idx_hbm.at[pl.ds(o, cw)], idxc_v)
            pltpu.async_copy(tbl_hbm.at[idxc_v], rows_v, sem).wait()
            pltpu.sync_copy(rows_v, out_hbm.at[pl.ds(o, cw)])
            return ()

        lax.fori_loop(0, nchunk, chunk, (), unroll=False)

    return gather(tbl128, idx_flat)


def _k2_body(pl_ref, w1_ref, b1_ref, f_ref, stats_ref):
    a = pl_ref[...]
    rb = jnp.float32(jnp.bfloat16(0.7071))

    def b16(v):
        return v.astype(jnp.bfloat16).astype(jnp.float32)

    gx, gy, gz = [], [], []
    for k in range(_K):
        gx.append(a[4 * k:4 * k + 1, :] - a[36:37, :])
        gy.append(a[4 * k + 1:4 * k + 2, :] - a[37:38, :])
        gz.append(a[4 * k + 2:4 * k + 3, :] - a[38:39, :])
    gxs = jnp.concatenate(gx, axis=0)
    gys = jnp.concatenate(gy, axis=0)
    gzs = jnp.concatenate(gz, axis=0)

    bx, by, bz = b16(gxs), b16(gys), b16(gzs)
    px = (bx * 0.5 + by * rb) + bz * (-0.5)
    py = (bx * (-0.5) + by * rb) + bz * 0.5
    s = jnp.abs(px) + jnp.abs(py)
    r = py / jnp.maximum(s, 1e-30)
    key = jnp.where(px >= 0.0, r, jnp.where(py >= 0.0, 2.0 - r, -2.0 - r))

    kio = lax.broadcasted_iota(jnp.int32, (_K, _Q2), 0)
    inf = jnp.float32(jnp.inf)
    sx, sy, sz = [], [], []
    work = key
    for _ in range(_K):
        m = jnp.min(work, axis=0, keepdims=True)
        ii = jnp.min(jnp.where(work == m, kio, _K), axis=0, keepdims=True)
        sel = kio == ii
        sx.append(jnp.sum(jnp.where(sel, gxs, 0.0), axis=0, keepdims=True))
        sy.append(jnp.sum(jnp.where(sel, gys, 0.0), axis=0, keepdims=True))
        sz.append(jnp.sum(jnp.where(sel, gzs, 0.0), axis=0, keepdims=True))
        work = jnp.where(sel, inf, work)
    v1x = jnp.concatenate(sx, axis=0)
    v1y = jnp.concatenate(sy, axis=0)
    v1z = jnp.concatenate(sz, axis=0)
    v2x = jnp.concatenate([v1x[1:], v1x[:1]], axis=0)
    v2y = jnp.concatenate([v1y[1:], v1y[:1]], axis=0)
    v2z = jnp.concatenate([v1z[1:], v1z[:1]], axis=0)

    crx = v1y * v2z - v1z * v2y
    cry = v1z * v2x - v1x * v2z
    crz = v1x * v2y - v1y * v2x
    nrm = jnp.sqrt((crx * crx + cry * cry) + crz * crz)
    dn = jnp.maximum(nrm, 1e-12)
    nx, ny, nz = crx / dn, cry / dn, crz / dn
    cx = (v1x + v2x) / 3.0
    cy = (v1y + v2y) / 3.0
    cz = (v1z + v2z) / 3.0
    pos = (nx * cx + ny * cy) + nz * cz
    d01 = jnp.sqrt((v1x * v1x + v1y * v1y) + v1z * v1z)
    ex, ey, ez = v2x - v1x, v2y - v1y, v2z - v1z
    d12 = jnp.sqrt((ex * ex + ey * ey) + ez * ez)
    d20 = jnp.sqrt((v2x * v2x + v2y * v2y) + v2z * v2z)
    area = 0.5 * nrm

    ch = [nx, ny, nz, pos, cx, cy, cz, d01, d12, d20, area]
    frows = []
    for k in range(_K):
        for c in range(11):
            frows.append(ch[c][k:k + 1, :])
    frows.append(jnp.zeros((104 - 99, _Q2), jnp.float32))
    fout = jnp.concatenate(frows, axis=0)
    f_ref[...] = fout

    w1 = w1_ref[...].astype(jnp.bfloat16)
    b1 = b1_ref[...]
    ssum = jnp.zeros((64, 1), jnp.float32)
    ssq = jnp.zeros((64, 1), jnp.float32)
    for k in range(_K):
        fk = fout[11 * k:11 * k + 11, :].astype(jnp.bfloat16)
        xk = lax.dot_general(w1, fk, (((1,), (0,)), ((), ())),
                             preferred_element_type=jnp.float32) + b1
        ssum = ssum + jnp.sum(xk, axis=1, keepdims=True)
        ssq = ssq + jnp.sum(xk * xk, axis=1, keepdims=True)
    st = jnp.concatenate([ssum, ssq, jnp.zeros((64, 126), jnp.float32)], axis=1)

    @pl.when(pl.program_id(0) == 0)
    def _init():
        stats_ref[...] = jnp.zeros_like(stats_ref)

    stats_ref[...] += st


def _run_k2(planes, w1, b1):
    return pl.pallas_call(
        _k2_body,
        grid=(_N // _Q2,),
        in_specs=[
            pl.BlockSpec((40, _Q2), lambda i: (0, i)),
            pl.BlockSpec((64, 11), lambda i: (0, 0)),
            pl.BlockSpec((64, 1), lambda i: (0, 0)),
        ],
        out_specs=[
            pl.BlockSpec((104, _Q2), lambda i: (0, i)),
            pl.BlockSpec((64, 128), lambda i: (0, 0)),
        ],
        out_shape=[
            jax.ShapeDtypeStruct((104, _N), jnp.float32),
            jax.ShapeDtypeStruct((64, 128), jnp.float32),
        ],
    )(planes, w1, b1)


def _k3_body(f_ref, w1_ref, b1_ref, w2_ref, b2_ref, out_ref):
    w1 = w1_ref[...].astype(jnp.bfloat16)
    b1 = b1_ref[...]
    acc = jnp.zeros((64, _Q2), jnp.float32)
    for k in range(_K):
        fk = f_ref[11 * k:11 * k + 11, :].astype(jnp.bfloat16)
        xk = lax.dot_general(w1, fk, (((1,), (0,)), ((), ())),
                             preferred_element_type=jnp.float32) + b1
        acc = acc + jnp.maximum(xk, 0.0)
    w2 = w2_ref[...].astype(jnp.bfloat16)
    out_ref[...] = lax.dot_general(
        w2, acc.astype(jnp.bfloat16), (((1,), (0,)), ((), ())),
        preferred_element_type=jnp.float32) + b2_ref[...]


def _run_k3(feat, w1e, b1e, w2, b2c):
    return pl.pallas_call(
        _k3_body,
        grid=(_N // _Q2,),
        in_specs=[
            pl.BlockSpec((104, _Q2), lambda i: (0, i)),
            pl.BlockSpec((64, 11), lambda i: (0, 0)),
            pl.BlockSpec((64, 1), lambda i: (0, 0)),
            pl.BlockSpec((64, 64), lambda i: (0, 0)),
            pl.BlockSpec((64, 1), lambda i: (0, 0)),
        ],
        out_specs=pl.BlockSpec((64, _Q2), lambda i: (0, i)),
        out_shape=jax.ShapeDtypeStruct((64, _N), jnp.float32),
    )(feat, w1e, b1e, w2, b2c)


def kernel(center, offset, W1, b1, gamma, beta, W2, b2):
    xyz = center
    sq = jnp.sum(xyz * xyz, axis=-1)

    xq8 = jnp.concatenate(
        [xyz, sq[:, None], jnp.zeros((_N, 4), jnp.float32)], axis=1)
    xrows = jnp.concatenate(
        [xyz.T, sq[None, :], jnp.zeros((4, _N), jnp.float32)], axis=0)

    cols = _run_k1(xq8, xrows)
    idx_flat = cols[:, :_K].reshape(-1)

    tbl128 = jnp.concatenate(
        [xyz, jnp.zeros((_N, 125), jnp.float32)], axis=1)
    rows = _sc_gather(tbl128, idx_flat)

    g4 = rows[:, :4].reshape(_N, _K, 4)
    planes = jnp.concatenate(
        [g4.transpose(1, 2, 0).reshape(36, _N), xyz.T,
         jnp.zeros((1, _N), jnp.float32)], axis=0)

    feat, stats = _run_k2(planes, W1, b1[:, None])

    cnt = jnp.float32(_N * _K)
    m = stats[:, 0] / cnt
    var = stats[:, 1] / cnt - m * m
    scale = gamma * lax.rsqrt(var + 1e-5)
    w1e = W1 * scale[:, None]
    b1e = ((b1 - m) * scale + beta)[:, None]
    b2c = (_K * b2)[:, None]

    out = _run_k3(feat, w1e, b1e, W2, b2c)
    return out.T

# --- scband reference (transcript-rebuilt; emitter-appended) ---
"""Pipeline reference for scband-sfe-25795573580099 (READ-ONLY COPY).

The authoritative reference and input builder live on the scoring server;
editing this copy changes nothing except your own understanding.
"""

import jax, jax.numpy as jnp
import numpy as np

K = 9
IN_CH = 11
OUT_CH = 64
N = 16384
CHUNK = 2048

def _fixed_rotate(xyz):
    rot = jnp.array([[0.5, -0.5, 0.7071], [0.7071, 0.7071, 0.0], [-0.5, 0.5, 0.7071]], dtype=xyz.dtype)
    return xyz @ rot

def _xyz2sphere(xyz):
    rho = jnp.sqrt(jnp.sum(xyz * xyz, axis=-1, keepdims=True))
    theta = jnp.arccos(jnp.clip(xyz[..., 2:3] / jnp.maximum(rho, 1e-8), -1.0, 1.0)) / np.pi
    phi = jnp.arctan2(xyz[..., 1:2], xyz[..., 0:1]) / np.pi
    return jnp.concatenate([rho, theta, phi], axis=-1)

def _knn(xyz, k):
    n = xyz.shape[0]
    sq = jnp.sum(xyz * xyz, axis=-1)
    qs = xyz.reshape(n // CHUNK, CHUNK, 3)
    qsq = sq.reshape(n // CHUNK, CHUNK)
    def body(args):
        qc, qsqc = args
        d = qsqc[:, None] + sq[None, :] - 2.0 * (qc @ xyz.T)
        _, idx = jax.lax.top_k(-d, k)
        return idx
    idx = jax.lax.map(body, (qs, qsq))
    return idx.reshape(n, k)

def _group(xyz, k):
    idx = _knn(xyz, k)
    group_xyz = xyz[idx]
    gn = group_xyz - xyz[:, None, :]
    phi = _xyz2sphere(_fixed_rotate(gn))[..., 2]
    sort_idx = jnp.argsort(phi, axis=-1)
    sorted_gn = jnp.take_along_axis(gn, sort_idx[..., None], axis=1)
    sg = sorted_gn[:, :, None, :]
    sg_roll = jnp.roll(sg, shift=-1, axis=-3)
    centroid = jnp.zeros_like(sg)
    return jnp.concatenate([centroid, sg, sg_roll], axis=-2)

def _features(gx):
    v0, v1, v2 = gx[..., 0, :], gx[..., 1, :], gx[..., 2, :]
    cr = jnp.cross(v1 - v0, v2 - v0)
    nrm = jnp.linalg.norm(cr, axis=-1, keepdims=True)
    normal = cr / jnp.maximum(nrm, 1e-12)
    center = jnp.mean(gx, axis=-2)
    pos = jnp.sum(normal * center, axis=-1, keepdims=True)
    d01 = jnp.linalg.norm(v1 - v0, axis=-1, keepdims=True)
    d12 = jnp.linalg.norm(v2 - v1, axis=-1, keepdims=True)
    d20 = jnp.linalg.norm(v0 - v2, axis=-1, keepdims=True)
    dist = jnp.concatenate([d01, d12, d20], axis=-1)
    area = 0.5 * nrm
    normal = jnp.nan_to_num(normal)
    center = jnp.nan_to_num(center)
    pos = jnp.nan_to_num(pos)
    return jnp.concatenate([normal, pos, center, dist, area], axis=-1)

def _mlps(feat, W1, b1, gamma, beta, W2, b2):
    x = jnp.einsum('nkc,oc->nok', feat, W1) + b1[None, :, None]
    m = jnp.mean(x, axis=(0, 2), keepdims=True)
    v = jnp.mean((x - m) ** 2, axis=(0, 2), keepdims=True)
    x = (x - m) / jnp.sqrt(v + 1e-5) * gamma[None, :, None] + beta[None, :, None]
    x = jax.nn.relu(x)
    x = jnp.einsum('nck,oc->nok', x, W2) + b2[None, :, None]
    return jnp.sum(x, axis=2)

def setup_inputs(seed: int = 0) -> dict:
    key = jax.random.key(seed)
    k1, k2, k3, k4, k5 = jax.random.split(key, 5)
    center = jax.random.normal(k1, (N, 3), dtype=jnp.float32)
    offset = jnp.array([N], dtype=jnp.int32)
    W1 = jax.random.normal(k2, (OUT_CH, IN_CH), dtype=jnp.float32) * (1.0 / np.sqrt(IN_CH))
    b1 = jax.random.normal(k3, (OUT_CH,), dtype=jnp.float32) * 0.01
    gamma = jnp.ones((OUT_CH,), dtype=jnp.float32)
    beta = jnp.zeros((OUT_CH,), dtype=jnp.float32)
    W2 = jax.random.normal(k4, (OUT_CH, OUT_CH), dtype=jnp.float32) * (1.0 / np.sqrt(OUT_CH))
    b2 = jax.random.normal(k5, (OUT_CH,), dtype=jnp.float32) * 0.01
    return {'center': center, 'offset': offset, 'W1': W1, 'b1': b1, 'gamma': gamma, 'beta': beta, 'W2': W2, 'b2': b2}

def reference(center, offset, W1, b1, gamma, beta, W2, b2):
    gx = _group(center, K)
    feat = _features(gx)
    return _mlps(feat, W1, b1, gamma, beta, W2, b2)

if __name__ == "__main__":
    import jax
    _d = setup_inputs()
    print(jax.jit(kernel)(*tuple(_d.values())))

</pallas_src>

<mosaic_0001>
#map = affine_map<(d0, d1) -> (0, 0)>
#map1 = affine_map<(d0, d1) -> (0)>
module attributes {stable_mosaic.version = 14 : i64} {
  func.func @gather(%arg0: i32, %arg1: i32, %arg2: memref<16384x128xf32, #tpu.memory_space<hbm>>, %arg3: memref<147456xi32, #tpu.memory_space<hbm>>, %arg4: memref<147456x128xf32, #tpu.memory_space<hbm>>, %arg5: memref<576xi32, #tpu.memory_space<vmem>>, %arg6: memref<576x128xf32, #tpu.memory_space<vmem>>, %arg7: memref<!tpu.dma_semaphore, #tpu.memory_space<semaphore_mem>>) attributes {dimension_semantics = [#tpu.dimension_semantics<core_parallel>, #tpu.dimension_semantics<subcore_parallel>], iteration_bounds = array<i64: 2, 16>, scalar_prefetch = 0 : i64, scratch_operands = 3 : i64, tpu.core_type = #tpu.core_type<sc_vector_subcore>, window_params = [{transform_indices = #map}, {transform_indices = #map1}, {transform_indices = #map}]} {
    %mul3A = arith.constant 2 : i32
    %mul3A_0 = arith.muli %arg1, %mul3A : i32
    %add3A = arith.addi %mul3A_0, %arg0 : i32
    %mul3A_1 = arith.constant 4608 : i32
    %mul3A_2 = arith.muli %add3A, %mul3A_1 : i32
    %scan3A = arith.constant 0 : i32
    %scan3A_3 = arith.constant 8 : i32
    %scan3A_4 = arith.addi %scan3A, %scan3A_3 : i32
    %scan3A_5 = arith.constant 1 : i32
    scf.for %scan3A_7 = %scan3A to %scan3A_4 step %scan3A_5  : i32 {
      %mul3A_8 = arith.constant 576 : i32
      %mul3A_9 = arith.muli %scan3A_7, %mul3A_8 : i32
      %add3A_10 = arith.addi %mul3A_2, %mul3A_9 : i32
      "tpu.region"() ({
        %run_scoped3A = tpu.sem_alloc : memref<!tpu.dma_semaphore, #tpu.memory_space<semaphore_mem>>
        %dma_start3A_15 = tpu.memref_slice %arg3[%add3A_10] : memref<147456xi32, #tpu.memory_space<hbm>> -> memref<576xi32, #tpu.memory_space<hbm>>
        %dma_start3A_16 = tpu.memref_slice %arg3[%add3A_10] : memref<147456xi32, #tpu.memory_space<hbm>> -> memref<576xi32, #tpu.memory_space<hbm>>
        tpu.enqueue_dma source(%dma_start3A_16 : memref<576xi32, #tpu.memory_space<hbm>>) target(%arg5 : memref<576xi32, #tpu.memory_space<vmem>>) target_semaphore(%run_scoped3A : memref<!tpu.dma_semaphore, #tpu.memory_space<semaphore_mem>>)
        %dma_wait3A_17 = tpu.memref_slice %arg3[%add3A_10] : memref<147456xi32, #tpu.memory_space<hbm>> -> memref<576xi32, #tpu.memory_space<hbm>>
        %dma_wait3A_18 = tpu.memref_slice %arg3[%add3A_10] : memref<147456xi32, #tpu.memory_space<hbm>> -> memref<576xi32, #tpu.memory_space<hbm>>
        tpu.wait_dma2 semaphore(%run_scoped3A : memref<!tpu.dma_semaphore, #tpu.memory_space<semaphore_mem>>) src(%dma_wait3A_18 : memref<576xi32, #tpu.memory_space<hbm>>) dst(%arg5 : memref<576xi32, #tpu.memory_space<vmem>>)
        tpu.yield
      }) : () -> ()
      %dma_start3A = arith.constant 0 : i32
      %dma_start3A_11 = arith.constant 0 : i32
      %dma_start3A_12 = tpu.memref_slice %arg2[%dma_start3A, %dma_start3A_11] : memref<16384x128xf32, #tpu.memory_space<hbm>> -> memref<16384x128xf32, #tpu.memory_space<hbm>>
      tpu.enqueue_indirect_dma source(%dma_start3A_12 : memref<16384x128xf32, #tpu.memory_space<hbm>>) target(%arg6 : memref<576x128xf32, #tpu.memory_space<vmem>>) offsets(%arg5 : memref<576xi32, #tpu.memory_space<vmem>>) semaphore(%arg7 : memref<!tpu.dma_semaphore, #tpu.memory_space<semaphore_mem>>)
      %dma_wait3A = arith.constant 0 : i32
      %dma_wait3A_13 = arith.constant 0 : i32
      %dma_wait3A_14 = tpu.memref_slice %arg2[%dma_wait3A, %dma_wait3A_13] : memref<16384x128xf32, #tpu.memory_space<hbm>> -> memref<16384x128xf32, #tpu.memory_space<hbm>>
      tpu.wait_indirect_dma semaphore(%arg7 : memref<!tpu.dma_semaphore, #tpu.memory_space<semaphore_mem>>) src(%dma_wait3A_14 : memref<16384x128xf32, #tpu.memory_space<hbm>>) dst(%arg6 : memref<576x128xf32, #tpu.memory_space<vmem>>)
      "tpu.region"() ({
        %run_scoped3A = tpu.sem_alloc : memref<!tpu.dma_semaphore, #tpu.memory_space<semaphore_mem>>
        %dma_start3A_15 = arith.constant 0 : i32
        %dma_start3A_16 = tpu.memref_slice %arg4[%add3A_10, %dma_start3A_15] : memref<147456x128xf32, #tpu.memory_space<hbm>> -> memref<576x128xf32, #tpu.memory_space<hbm>>
        %dma_start3A_17 = arith.constant 0 : i32
        %dma_start3A_18 = tpu.memref_slice %arg4[%add3A_10, %dma_start3A_17] : memref<147456x128xf32, #tpu.memory_space<hbm>> -> memref<576x128xf32, #tpu.memory_space<hbm>>
        tpu.enqueue_dma source(%arg6 : memref<576x128xf32, #tpu.memory_space<vmem>>) target(%dma_start3A_18 : memref<576x128xf32, #tpu.memory_space<hbm>>) target_semaphore(%run_scoped3A : memref<!tpu.dma_semaphore, #tpu.memory_space<semaphore_mem>>)
        %dma_wait3A_19 = arith.constant 0 : i32
        %dma_wait3A_20 = tpu.memref_slice %arg4[%add3A_10, %dma_wait3A_19] : memref<147456x128xf32, #tpu.memory_space<hbm>> -> memref<576x128xf32, #tpu.memory_space<hbm>>
        %dma_wait3A_21 = arith.constant 0 : i32
        %dma_wait3A_22 = tpu.memref_slice %arg4[%add3A_10, %dma_wait3A_21] : memref<147456x128xf32, #tpu.memory_space<hbm>> -> memref<576x128xf32, #tpu.memory_space<hbm>>
        tpu.wait_dma2 semaphore(%run_scoped3A : memref<!tpu.dma_semaphore, #tpu.memory_space<semaphore_mem>>) src(%arg6 : memref<576x128xf32, #tpu.memory_space<vmem>>) dst(%dma_wait3A_22 : memref<576x128xf32, #tpu.memory_space<hbm>>)
        tpu.yield
      }) : () -> ()
    }
    %scan3A_6 = arith.constant 8 : i32
    return
  }
}

module attributes {stable_mosaic.version = 14 : i64} {
  func.func @_k1_body(%arg0: i32, %arg1: memref<256x8xf32, #tpu.memory_space<vmem>>, %arg2: memref<8x16384xf32, #tpu.memory_space<vmem>>, %arg3: memref<256x16xi32, #tpu.memory_space<vmem>>) attributes {dimension_semantics = [#tpu.dimension_semantics<arbitrary>], iteration_bounds = array<i64: 64>, scalar_prefetch = 0 : i64, scratch_operands = 0 : i64, tpu.core_type = #tpu.core_type<tc>, window_params = [{transform_indices = @transform_0, window_bounds = array<i64: 256, 8>}, {pipeline_mode = #tpu.pipeline_mode<synchronous>, transform_indices = @transform_1, window_bounds = array<i64: 8, 16384>}, {transform_indices = @transform_2, window_bounds = array<i64: 256, 16>}]} {
    %get3A = arith.constant 0 : index
    %get3A_0 = arith.constant 0 : index
    %get3A_1 = vector.load %arg1[%get3A, %get3A_0] : memref<256x8xf32, #tpu.memory_space<vmem>>, vector<256x8xf32>
    %get3A_2 = arith.constant 0 : index
    %get3A_3 = arith.constant 0 : index
    %get3A_4 = vector.load %arg2[%get3A_2, %get3A_3] : memref<8x16384xf32, #tpu.memory_space<vmem>>, vector<8x16384xf32>
    %slice3A = vector.extract_strided_slice %get3A_1 {offsets = [0, 0], sizes = [256, 3], strides = [1, 1]} : vector<256x8xf32> to vector<256x3xf32>
    %convert_element_type3A = arith.truncf %slice3A : vector<256x3xf32> to vector<256x3xbf16>
    %slice3A_5 = vector.extract_strided_slice %get3A_4 {offsets = [0, 0], sizes = [3, 16384], strides = [1, 1]} : vector<8x16384xf32> to vector<3x16384xf32>
    %convert_element_type3A_6 = arith.truncf %slice3A_5 : vector<3x16384xf32> to vector<3x16384xbf16>
    %dot_general3A = arith.constant dense<0.000000e+00> : vector<256x16384xf32>
    %dot_general3A_7 = tpu.matmul %convert_element_type3A, %convert_element_type3A_6, %dot_general3A {dimension_numbers = #tpu.dot_dimension_numbers<[1], [0], [0], [1], [0, 0, 1, 1], [], []>, transpose_lhs_hint = false} : vector<256x3xbf16>, vector<3x16384xbf16>, vector<256x16384xf32> -> vector<256x16384xf32>
    %slice3A_8 = vector.extract_strided_slice %get3A_1 {offsets = [0, 3], sizes = [256, 1], strides = [1, 1]} : vector<256x8xf32> to vector<256x1xf32>
    %slice3A_9 = vector.extract_strided_slice %get3A_4 {offsets = [3, 0], sizes = [1, 16384], strides = [1, 1]} : vector<8x16384xf32> to vector<1x16384xf32>
    %add3A = vector.broadcast %slice3A_8 : vector<256x1xf32> to vector<256x16384xf32>
    %add3A_10 = vector.broadcast %slice3A_9 : vector<1x16384xf32> to vector<256x16384xf32>
    %add3A_11 = arith.addf %add3A, %add3A_10 : vector<256x16384xf32>
    %mul3A = arith.constant 2.000000e+00 : f32
    %mul3A_12 = vector.broadcast %mul3A : f32 to vector<256x16384xf32>
    %mul3A_13 = arith.mulf %mul3A_12, %dot_general3A_7 : vector<256x16384xf32>
    %sub3A = arith.subf %add3A_11, %mul3A_13 : vector<256x16384xf32>
    %reshape3A = vector.shape_cast %sub3A : vector<256x16384xf32> to vector<256x64x256xf32>
    %iota3A = tpu.iota {dimensions = array<i32: 1>} : vector<256x64x256xi32>
    %iota3A_14 = tpu.iota {dimensions = array<i32: 1>} : vector<256x256xi32>
    %reduce_min3A = arith.constant dense<0x7F800000> : vector<256x256xf32>
    %reduce_min3A_15 = vector.multi_reduction <minimumf>, %reshape3A, %reduce_min3A [1] : vector<256x64x256xf32> to vector<256x256xf32>
    %broadcast_in_dim3A = vector.shape_cast %reduce_min3A_15 : vector<256x256xf32> to vector<256x1x256xf32>
    %eq3A = vector.broadcast %broadcast_in_dim3A : vector<256x1x256xf32> to vector<256x64x256xf32>
    %eq3A_16 = arith.cmpf oeq, %reshape3A, %eq3A : vector<256x64x256xf32>
    %jit3A = arith.constant 64 : i32
    %broadcast_in_dim3A_17 = vector.broadcast %jit3A : i32 to vector<256x64x256xi32>
    %select_n3A = arith.select %eq3A_16, %iota3A, %broadcast_in_dim3A_17 : vector<256x64x256xi1>, vector<256x64x256xi32>
    %reduce_min3A_18 = arith.constant dense<2147483647> : vector<256x256xi32>
    %reduce_min3A_19 = vector.multi_reduction <minsi>, %select_n3A, %reduce_min3A_18 [1] : vector<256x64x256xi32> to vector<256x256xi32>
    %broadcast_in_dim3A_20 = vector.shape_cast %reduce_min3A_19 : vector<256x256xi32> to vector<256x1x256xi32>
    %eq3A_21 = vector.broadcast %broadcast_in_dim3A_20 : vector<256x1x256xi32> to vector<256x64x256xi32>
    %eq3A_22 = arith.cmpi eq, %iota3A, %eq3A_21 : vector<256x64x256xi32>
    %jit3A_23 = arith.constant 0x7F800000 : f32
    %broadcast_in_dim3A_24 = vector.broadcast %jit3A_23 : f32 to vector<256x64x256xf32>
    %select_n3A_25 = arith.select %eq3A_22, %broadcast_in_dim3A_24, %reshape3A : vector<256x64x256xi1>, vector<256x64x256xf32>
    %reduce_min3A_26 = arith.constant dense<0x7F800000> : vector<256x256xf32>
    %reduce_min3A_27 = vector.multi_reduction <minimumf>, %select_n3A_25, %reduce_min3A_26 [1] : vector<256x64x256xf32> to vector<256x256xf32>
    %broadcast_in_dim3A_28 = vector.shape_cast %reduce_min3A_27 : vector<256x256xf32> to vector<256x1x256xf32>
    %eq3A_29 = vector.broadcast %broadcast_in_dim3A_28 : vector<256x1x256xf32> to vector<256x64x256xf32>
    %eq3A_30 = arith.cmpf oeq, %reshape3A, %eq3A_29 : vector<256x64x256xf32>
    %not3A = arith.constant dense<true> : vector<256x64x256xi1>
    %not3A_31 = arith.xori %eq3A_22, %not3A : vector<256x64x256xi1>
    %and3A = arith.andi %eq3A_30, %not3A_31 : vector<256x64x256xi1>
    %jit3A_32 = arith.constant 64 : i32
    %broadcast_in_dim3A_33 = vector.broadcast %jit3A_32 : i32 to vector<256x64x256xi32>
    %select_n3A_34 = arith.select %and3A, %iota3A, %broadcast_in_dim3A_33 : vector<256x64x256xi1>, vector<256x64x256xi32>
    %reduce_min3A_35 = arith.constant dense<2147483647> : vector<256x256xi32>
    %reduce_min3A_36 = vector.multi_reduction <minsi>, %select_n3A_34, %reduce_min3A_35 [1] : vector<256x64x256xi32> to vector<256x256xi32>
    %broadcast_in_dim3A_37 = vector.shape_cast %reduce_min3A_36 : vector<256x256xi32> to vector<256x1x256xi32>
    %eq3A_38 = vector.broadcast %broadcast_in_dim3A_37 : vector<256x1x256xi32> to vector<256x64x256xi32>
    %eq3A_39 = arith.cmpi eq, %iota3A, %eq3A_38 : vector<256x64x256xi32>
    %or3A = arith.ori %eq3A_22, %eq3A_39 : vector<256x64x256xi1>
    %jit3A_40 = arith.constant 0x7F800000 : f32
    %broadcast_in_dim3A_41 = vector.broadcast %jit3A_40 : f32 to vector<256x64x256xf32>
    %select_n3A_42 = arith.select %or3A, %broadcast_in_dim3A_41, %reshape3A : vector<256x64x256xi1>, vector<256x64x256xf32>
    %reduce_min3A_43 = arith.constant dense<0x7F800000> : vector<256x256xf32>
    %reduce_min3A_44 = vector.multi_reduction <minimumf>, %select_n3A_42, %reduce_min3A_43 [1] : vector<256x64x256xf32> to vector<256x256xf32>
    %broadcast_in_dim3A_45 = vector.shape_cast %reduce_min3A_44 : vector<256x256xf32> to vector<256x1x256xf32>
    %eq3A_46 = vector.broadcast %broadcast_in_dim3A_45 : vector<256x1x256xf32> to vector<256x64x256xf32>
    %eq3A_47 = arith.cmpf oeq, %reshape3A, %eq3A_46 : vector<256x64x256xf32>
    %not3A_48 = arith.constant dense<true> : vector<256x64x256xi1>
    %not3A_49 = arith.xori %or3A, %not3A_48 : vector<256x64x256xi1>
    %and3A_50 = arith.andi %eq3A_47, %not3A_49 : vector<256x64x256xi1>
    %jit3A_51 = arith.constant 64 : i32
    %broadcast_in_dim3A_52 = vector.broadcast %jit3A_51 : i32 to vector<256x64x256xi32>
    %select_n3A_53 = arith.select %and3A_50, %iota3A, %broadcast_in_dim3A_52 : vector<256x64x256xi1>, vector<256x64x256xi32>
    %reduce_min3A_54 = arith.constant dense<2147483647> : vector<256x256xi32>
    %reduce_min3A_55 = vector.multi_reduction <minsi>, %select_n3A_53, %reduce_min3A_54 [1] : vector<256x64x256xi32> to vector<256x256xi32>
    %mul3A_56 = arith.constant 256 : i32
    %mul3A_57 = vector.broadcast %mul3A_56 : i32 to vector<256x256xi32>
    %mul3A_58 = arith.muli %reduce_min3A_19, %mul3A_57 : vector<256x256xi32>
    %add3A_59 = arith.addi %mul3A_58, %iota3A_14 : vector<256x256xi32>
    %mul3A_60 = arith.constant 256 : i32
    %mul3A_61 = vector.broadcast %mul3A_60 : i32 to vector<256x256xi32>
    %mul3A_62 = arith.muli %reduce_min3A_36, %mul3A_61 : vector<256x256xi32>
    %add3A_63 = arith.addi %mul3A_62, %iota3A_14 : vector<256x256xi32>
    %mul3A_64 = arith.constant 256 : i32
    %mul3A_65 = vector.broadcast %mul3A_64 : i32 to vector<256x256xi32>
    %mul3A_66 = arith.muli %reduce_min3A_55, %mul3A_65 : vector<256x256xi32>
    %add3A_67 = arith.addi %mul3A_66, %iota3A_14 : vector<256x256xi32>
    %concatenate3A = tpu.concatenate %reduce_min3A_15, %reduce_min3A_27, %reduce_min3A_44 in 1 : vector<256x256xf32>, vector<256x256xf32>, vector<256x256xf32> -> vector<256x768xf32>
    %concatenate3A_68 = tpu.concatenate %add3A_59, %add3A_63, %add3A_67 in 1 : vector<256x256xi32>, vector<256x256xi32>, vector<256x256xi32> -> vector<256x768xi32>
    %reduce_min3A_69 = arith.constant dense<0x7F800000> : vector<256xf32>
    %reduce_min3A_70 = vector.multi_reduction <minimumf>, %concatenate3A, %reduce_min3A_69 [1] : vector<256x768xf32> to vector<256xf32>
    %broadcast_in_dim3A_71 = vector.shape_cast %reduce_min3A_70 : vector<256xf32> to vector<256x1xf32>
    %eq3A_72 = vector.broadcast %broadcast_in_dim3A_71 : vector<256x1xf32> to vector<256x768xf32>
    %eq3A_73 = arith.cmpf oeq, %concatenate3A, %eq3A_72 : vector<256x768xf32>
    %jit3A_74 = arith.constant 16384 : i32
    %broadcast_in_dim3A_75 = vector.broadcast %jit3A_74 : i32 to vector<256x768xi32>
    %select_n3A_76 = arith.select %eq3A_73, %concatenate3A_68, %broadcast_in_dim3A_75 : vector<256x768xi1>, vector<256x768xi32>
    %reduce_min3A_77 = arith.constant dense<2147483647> : vector<256xi32>
    %reduce_min3A_78 = vector.multi_reduction <minsi>, %select_n3A_76, %reduce_min3A_77 [1] : vector<256x768xi32> to vector<256xi32>
    %broadcast_in_dim3A_79 = vector.shape_cast %reduce_min3A_78 : vector<256xi32> to vector<256x1xi32>
    %eq3A_80 = vector.broadcast %broadcast_in_dim3A_79 : vector<256x1xi32> to vector<256x768xi32>
    %eq3A_81 = arith.cmpi eq, %concatenate3A_68, %eq3A_80 : vector<256x768xi32>
    %jit3A_82 = arith.constant 0x7F800000 : f32
    %broadcast_in_dim3A_83 = vector.broadcast %jit3A_82 : f32 to vector<256x768xf32>
    %select_n3A_84 = arith.select %eq3A_81, %broadcast_in_dim3A_83, %concatenate3A : vector<256x768xi1>, vector<256x768xf32>
    %reduce_min3A_85 = arith.constant dense<0x7F800000> : vector<256xf32>
    %reduce_min3A_86 = vector.multi_reduction <minimumf>, %select_n3A_84, %reduce_min3A_85 [1] : vector<256x768xf32> to vector<256xf32>
    %broadcast_in_dim3A_87 = vector.shape_cast %reduce_min3A_86 : vector<256xf32> to vector<256x1xf32>
    %eq3A_88 = vector.broadcast %broadcast_in_dim3A_87 : vector<256x1xf32> to vector<256x768xf32>
    %eq3A_89 = arith.cmpf oeq, %select_n3A_84, %eq3A_88 : vector<256x768xf32>
    %jit3A_90 = arith.constant 16384 : i32
    %broadcast_in_dim3A_91 = vector.broadcast %jit3A_90 : i32 to vector<256x768xi32>
    %select_n3A_92 = arith.select %eq3A_89, %concatenate3A_68, %broadcast_in_dim3A_91 : vector<256x768xi1>, vector<256x768xi32>
    %reduce_min3A_93 = arith.constant dense<2147483647> : vector<256xi32>
    %reduce_min3A_94 = vector.multi_reduction <minsi>, %select_n3A_92, %reduce_min3A_93 [1] : vector<256x768xi32> to vector<256xi32>
    %broadcast_in_dim3A_95 = vector.shape_cast %reduce_min3A_94 : vector<256xi32> to vector<256x1xi32>
    %eq3A_96 = vector.broadcast %broadcast_in_dim3A_95 : vector<256x1xi32> to vector<256x768xi32>
    %eq3A_97 = arith.cmpi eq, %concatenate3A_68, %eq3A_96 : vector<256x768xi32>
    %jit3A_98 = arith.constant 0x7F800000 : f32
    %broadcast_in_dim3A_99 = vector.broadcast %jit3A_98 : f32 to vector<256x768xf32>
    %select_n3A_100 = arith.select %eq3A_97, %broadcast_in_dim3A_99, %select_n3A_84 : vector<256x768xi1>, vector<256x768xf32>
    %reduce_min3A_101 = arith.constant dense<0x7F800000> : vector<256xf32>
    %reduce_min3A_102 = vector.multi_reduction <minimumf>, %select_n3A_100, %reduce_min3A_101 [1] : vector<256x768xf32> to vector<256xf32>
    %broadcast_in_dim3A_103 = vector.shape_cast %reduce_min3A_102 : vector<256xf32> to vector<256x1xf32>
    %eq3A_104 = vector.broadcast %broadcast_in_dim3A_103 : vector<256x1xf32> to vector<256x768xf32>
    %eq3A_105 = arith.cmpf oeq, %select_n3A_100, %eq3A_104 : vector<256x768xf32>
    %jit3A_106 = arith.constant 16384 : i32
    %broadcast_in_dim3A_107 = vector.broadcast %jit3A_106 : i32 to vector<256x768xi32>
    %select_n3A_108 = arith.select %eq3A_105, %concatenate3A_68, %broadcast_in_dim3A_107 : vector<256x768xi1>, vector<256x768xi32>
    %reduce_min3A_109 = arith.constant dense<2147483647> : vector<256xi32>
    %reduce_min3A_110 = vector.multi_reduction <minsi>, %select_n3A_108, %reduce_min3A_109 [1] : vector<256x768xi32> to vector<256xi32>
    %broadcast_in_dim3A_111 = vector.shape_cast %reduce_min3A_110 : vector<256xi32> to vector<256x1xi32>
    %eq3A_112 = vector.broadcast %broadcast_in_dim3A_111 : vector<256x1xi32> to vector<256x768xi32>
    %eq3A_113 = arith.cmpi eq, %concatenate3A_68, %eq3A_112 : vector<256x768xi32>
    %jit3A_114 = arith.constant 0x7F800000 : f32
    %broadcast_in_dim3A_115 = vector.broadcast %jit3A_114 : f32 to vector<256x768xf32>
    %select_n3A_116 = arith.select %eq3A_113, %broadcast_in_dim3A_115, %select_n3A_100 : vector<256x768xi1>, vector<256x768xf32>
    %reduce_min3A_117 = arith.constant dense<0x7F800000> : vector<256xf32>
    %reduce_min3A_118 = vector.multi_reduction <minimumf>, %select_n3A_116, %reduce_min3A_117 [1] : vector<256x768xf32> to vector<256xf32>
    %broadcast_in_dim3A_119 = vector.shape_cast %reduce_min3A_118 : vector<256xf32> to vector<256x1xf32>
    %eq3A_120 = vector.broadcast %broadcast_in_dim3A_119 : vector<256x1xf32> to vector<256x768xf32>
    %eq3A_121 = arith.cmpf oeq, %select_n3A_116, %eq3A_120 : vector<256x768xf32>
    %jit3A_122 = arith.constant 16384 : i32
    %broadcast_in_dim3A_123 = vector.broadcast %jit3A_122 : i32 to vector<256x768xi32>
    %select_n3A_124 = arith.select %eq3A_121, %concatenate3A_68, %broadcast_in_dim3A_123 : vector<256x768xi1>, vector<256x768xi32>
    %reduce_min3A_125 = arith.constant dense<2147483647> : vector<256xi32>
    %reduce_min3A_126 = vector.multi_reduction <minsi>, %select_n3A_124, %reduce_min3A_125 [1] : vector<256x768xi32> to vector<256xi32>
    %broadcast_in_dim3A_127 = vector.shape_cast %reduce_min3A_126 : vector<256xi32> to vector<256x1xi32>
    %eq3A_128 = vector.broadcast %broadcast_in_dim3A_127 : vector<256x1xi32> to vector<256x768xi32>
    %eq3A_129 = arith.cmpi eq, %concatenate3A_68, %eq3A_128 : vector<256x768xi32>
    %jit3A_130 = arith.constant 0x7F800000 : f32
    %broadcast_in_dim3A_131 = vector.broadcast %jit3A_130 : f32 to vector<256x768xf32>
    %select_n3A_132 = arith.select %eq3A_129, %broadcast_in_dim3A_131, %select_n3A_116 : vector<256x768xi1>, vector<256x768xf32>
    %reduce_min3A_133 = arith.constant dense<0x7F800000> : vector<256xf32>
    %reduce_min3A_134 = vector.multi_reduction <minimumf>, %select_n3A_132, %reduce_min3A_133 [1] : vector<256x768xf32> to vector<256xf32>
    %broadcast_in_dim3A_135 = vector.shape_cast %reduce_min3A_134 : vector<256xf32> to vector<256x1xf32>
    %eq3A_136 = vector.broadcast %broadcast_in_dim3A_135 : vector<256x1xf32> to vector<256x768xf32>
    %eq3A_137 = arith.cmpf oeq, %select_n3A_132, %eq3A_136 : vector<256x768xf32>
    %jit3A_138 = arith.constant 16384 : i32
    %broadcast_in_dim3A_139 = vector.broadcast %jit3A_138 : i32 to vector<256x768xi32>
    %select_n3A_140 = arith.select %eq3A_137, %concatenate3A_68, %broadcast_in_dim3A_139 : vector<256x768xi1>, vector<256x768xi32>
    %reduce_min3A_141 = arith.constant dense<2147483647> : vector<256xi32>
    %reduce_min3A_142 = vector.multi_reduction <minsi>, %select_n3A_140, %reduce_min3A_141 [1] : vector<256x768xi32> to vector<256xi32>
    %broadcast_in_dim3A_143 = vector.shape_cast %reduce_min3A_142 : vector<256xi32> to vector<256x1xi32>
    %eq3A_144 = vector.broadcast %broadcast_in_dim3A_143 : vector<256x1xi32> to vector<256x768xi32>
    %eq3A_145 = arith.cmpi eq, %concatenate3A_68, %eq3A_144 : vector<256x768xi32>
    %jit3A_146 = arith.constant 0x7F800000 : f32
    %broadcast_in_dim3A_147 = vector.broadcast %jit3A_146 : f32 to vector<256x768xf32>
    %select_n3A_148 = arith.select %eq3A_145, %broadcast_in_dim3A_147, %select_n3A_132 : vector<256x768xi1>, vector<256x768xf32>
    %reduce_min3A_149 = arith.constant dense<0x7F800000> : vector<256xf32>
    %reduce_min3A_150 = vector.multi_reduction <minimumf>, %select_n3A_148, %reduce_min3A_149 [1] : vector<256x768xf32> to vector<256xf32>
    %broadcast_in_dim3A_151 = vector.shape_cast %reduce_min3A_150 : vector<256xf32> to vector<256x1xf32>
    %eq3A_152 = vector.broadcast %broadcast_in_dim3A_151 : vector<256x1xf32> to vector<256x768xf32>
    %eq3A_153 = arith.cmpf oeq, %select_n3A_148, %eq3A_152 : vector<256x768xf32>
    %jit3A_154 = arith.constant 16384 : i32
    %broadcast_in_dim3A_155 = vector.broadcast %jit3A_154 : i32 to vector<256x768xi32>
    %select_n3A_156 = arith.select %eq3A_153, %concatenate3A_68, %broadcast_in_dim3A_155 : vector<256x768xi1>, vector<256x768xi32>
    %reduce_min3A_157 = arith.constant dense<2147483647> : vector<256xi32>
    %reduce_min3A_158 = vector.multi_reduction <minsi>, %select_n3A_156, %reduce_min3A_157 [1] : vector<256x768xi32> to vector<256xi32>
    %broadcast_in_dim3A_159 = vector.shape_cast %reduce_min3A_158 : vector<256xi32> to vector<256x1xi32>
    %eq3A_160 = vector.broadcast %broadcast_in_dim3A_159 : vector<256x1xi32> to vector<256x768xi32>
    %eq3A_161 = arith.cmpi eq, %concatenate3A_68, %eq3A_160 : vector<256x768xi32>
    %jit3A_162 = arith.constant 0x7F800000 : f32
    %broadcast_in_dim3A_163 = vector.broadcast %jit3A_162 : f32 to vector<256x768xf32>
    %select_n3A_164 = arith.select %eq3A_161, %broadcast_in_dim3A_163, %select_n3A_148 : vector<256x768xi1>, vector<256x768xf32>
    %reduce_min3A_165 = arith.constant dense<0x7F800000> : vector<256xf32>
    %reduce_min3A_166 = vector.multi_reduction <minimumf>, %select_n3A_164, %reduce_min3A_165 [1] : vector<256x768xf32> to vector<256xf32>
    %broadcast_in_dim3A_167 = vector.shape_cast %reduce_min3A_166 : vector<256xf32> to vector<256x1xf32>
    %eq3A_168 = vector.broadcast %broadcast_in_dim3A_167 : vector<256x1xf32> to vector<256x768xf32>
    %eq3A_169 = arith.cmpf oeq, %select_n3A_164, %eq3A_168 : vector<256x768xf32>
    %jit3A_170 = arith.constant 16384 : i32
    %broadcast_in_dim3A_171 = vector.broadcast %jit3A_170 : i32 to vector<256x768xi32>
    %select_n3A_172 = arith.select %eq3A_169, %concatenate3A_68, %broadcast_in_dim3A_171 : vector<256x768xi1>, vector<256x768xi32>
    %reduce_min3A_173 = arith.constant dense<2147483647> : vector<256xi32>
    %reduce_min3A_174 = vector.multi_reduction <minsi>, %select_n3A_172, %reduce_min3A_173 [1] : vector<256x768xi32> to vector<256xi32>
    %broadcast_in_dim3A_175 = vector.shape_cast %reduce_min3A_174 : vector<256xi32> to vector<256x1xi32>
    %eq3A_176 = vector.broadcast %broadcast_in_dim3A_175 : vector<256x1xi32> to vector<256x768xi32>
    %eq3A_177 = arith.cmpi eq, %concatenate3A_68, %eq3A_176 : vector<256x768xi32>
    %jit3A_178 = arith.constant 0x7F800000 : f32
    %broadcast_in_dim3A_179 = vector.broadcast %jit3A_178 : f32 to vector<256x768xf32>
    %select_n3A_180 = arith.select %eq3A_177, %broadcast_in_dim3A_179, %select_n3A_164 : vector<256x768xi1>, vector<256x768xf32>
    %reduce_min3A_181 = arith.constant dense<0x7F800000> : vector<256xf32>
    %reduce_min3A_182 = vector.multi_reduction <minimumf>, %select_n3A_180, %reduce_min3A_181 [1] : vector<256x768xf32> to vector<256xf32>
    %broadcast_in_dim3A_183 = vector.shape_cast %reduce_min3A_182 : vector<256xf32> to vector<256x1xf32>
    %eq3A_184 = vector.broadcast %broadcast_in_dim3A_183 : vector<256x1xf32> to vector<256x768xf32>
    %eq3A_185 = arith.cmpf oeq, %select_n3A_180, %eq3A_184 : vector<256x768xf32>
    %jit3A_186 = arith.constant 16384 : i32
    %broadcast_in_dim3A_187 = vector.broadcast %jit3A_186 : i32 to vector<256x768xi32>
    %select_n3A_188 = arith.select %eq3A_185, %concatenate3A_68, %broadcast_in_dim3A_187 : vector<256x768xi1>, vector<256x768xi32>
    %reduce_min3A_189 = arith.constant dense<2147483647> : vector<256xi32>
    %reduce_min3A_190 = vector.multi_reduction <minsi>, %select_n3A_188, %reduce_min3A_189 [1] : vector<256x768xi32> to vector<256xi32>
    %broadcast_in_dim3A_191 = vector.shape_cast %reduce_min3A_190 : vector<256xi32> to vector<256x1xi32>
    %eq3A_192 = vector.broadcast %broadcast_in_dim3A_191 : vector<256x1xi32> to vector<256x768xi32>
    %eq3A_193 = arith.cmpi eq, %concatenate3A_68, %eq3A_192 : vector<256x768xi32>
    %jit3A_194 = arith.constant 0x7F800000 : f32
    %broadcast_in_dim3A_195 = vector.broadcast %jit3A_194 : f32 to vector<256x768xf32>
    %select_n3A_196 = arith.select %eq3A_193, %broadcast_in_dim3A_195, %select_n3A_180 : vector<256x768xi1>, vector<256x768xf32>
    %reduce_min3A_197 = arith.constant dense<0x7F800000> : vector<256xf32>
    %reduce_min3A_198 = vector.multi_reduction <minimumf>, %select_n3A_196, %reduce_min3A_197 [1] : vector<256x768xf32> to vector<256xf32>
    %broadcast_in_dim3A_199 = vector.shape_cast %reduce_min3A_198 : vector<256xf32> to vector<256x1xf32>
    %eq3A_200 = vector.broadcast %broadcast_in_dim3A_199 : vector<256x1xf32> to vector<256x768xf32>
    %eq3A_201 = arith.cmpf oeq, %select_n3A_196, %eq3A_200 : vector<256x768xf32>
    %jit3A_202 = arith.constant 16384 : i32
    %broadcast_in_dim3A_203 = vector.broadcast %jit3A_202 : i32 to vector<256x768xi32>
    %select_n3A_204 = arith.select %eq3A_201, %concatenate3A_68, %broadcast_in_dim3A_203 : vector<256x768xi1>, vector<256x768xi32>
    %reduce_min3A_205 = arith.constant dense<2147483647> : vector<256xi32>
    %reduce_min3A_206 = vector.multi_reduction <minsi>, %select_n3A_204, %reduce_min3A_205 [1] : vector<256x768xi32> to vector<256xi32>
    %broadcast_in_dim3A_207 = vector.shape_cast %reduce_min3A_206 : vector<256xi32> to vector<256x1xi32>
    %broadcast_in_dim3A_208 = arith.constant 0 : i32
    %broadcast_in_dim3A_209 = vector.broadcast %broadcast_in_dim3A_208 : i32 to vector<256x7xi32>
    %concatenate3A_210 = tpu.concatenate %broadcast_in_dim3A_79, %broadcast_in_dim3A_95, %broadcast_in_dim3A_111, %broadcast_in_dim3A_127, %broadcast_in_dim3A_143, %broadcast_in_dim3A_159, %broadcast_in_dim3A_175, %broadcast_in_dim3A_191, %broadcast_in_dim3A_207, %broadcast_in_dim3A_209 in 1 : vector<256x1xi32>, vector<256x1xi32>, vector<256x1xi32>, vector<256x1xi32>, vector<256x1xi32>, vector<256x1xi32>, vector<256x1xi32>, vector<256x1xi32>, vector<256x1xi32>, vector<256x7xi32> -> vector<256x16xi32>
    %swap3A = arith.constant 0 : index
    %swap3A_211 = arith.constant 0 : index
    %swap3A_212 = vector.load %arg3[%swap3A, %swap3A_211] : memref<256x16xi32, #tpu.memory_space<vmem>>, vector<256x16xi32>
    tpu.vector_store %arg3[%swap3A, %swap3A_211], %concatenate3A_210 {strides = array<i32>} : memref<256x16xi32, #tpu.memory_space<vmem>>, vector<256x16xi32>,
    return
  }
  func.func @transform_0(%arg0: i32) -> (i32, i32) {
    %c0_i32 = arith.constant 0 : i32
    %c0_i32_0 = arith.constant 0 : i32
    return %arg0, %c0_i32 : i32, i32
  }
  func.func @transform_1(%arg0: i32) -> (i32, i32) {
    %c0_i32 = arith.constant 0 : i32
    %c0_i32_0 = arith.constant 0 : i32
    %c0_i32_1 = arith.constant 0 : i32
    return %c0_i32, %c0_i32_0 : i32, i32
  }
  func.func @transform_2(%arg0: i32) -> (i32, i32) {
    %c0_i32 = arith.constant 0 : i32
    %c0_i32_0 = arith.constant 0 : i32
    return %arg0, %c0_i32 : i32, i32
  }
}

module attributes {stable_mosaic.version = 14 : i64} {
  func.func @_k2_body(%arg0: i32, %arg1: memref<40x2048xf32, #tpu.memory_space<vmem>>, %arg2: memref<64x11xf32, #tpu.memory_space<vmem>>, %arg3: memref<64x1xf32, #tpu.memory_space<vmem>>, %arg4: memref<104x2048xf32, #tpu.memory_space<vmem>>, %arg5: memref<64x128xf32, #tpu.memory_space<vmem>>) attributes {dimension_semantics = [#tpu.dimension_semantics<arbitrary>], iteration_bounds = array<i64: 8>, scalar_prefetch = 0 : i64, scratch_operands = 0 : i64, tpu.core_type = #tpu.core_type<tc>, window_params = [{transform_indices = @transform_0, window_bounds = array<i64: 40, 2048>}, {pipeline_mode = #tpu.pipeline_mode<synchronous>, transform_indices = @transform_1, window_bounds = array<i64: 64, 11>}, {pipeline_mode = #tpu.pipeline_mode<synchronous>, transform_indices = @transform_2, window_bounds = array<i64: 64, 1>}, {transform_indices = @transform_3, window_bounds = array<i64: 104, 2048>}, {pipeline_mode = #tpu.pipeline_mode<synchronous>, transform_indices = @transform_4, window_bounds = array<i64: 64, 128>}]} {
    %get3A = arith.constant 0 : index
    %get3A_0 = arith.constant 0 : index
    %get3A_1 = vector.load %arg1[%get3A, %get3A_0] : memref<40x2048xf32, #tpu.memory_space<vmem>>, vector<40x2048xf32>
    %slice3A = vector.extract_strided_slice %get3A_1 {offsets = [0, 0], sizes = [1, 2048], strides = [1, 1]} : vector<40x2048xf32> to vector<1x2048xf32>
    %slice3A_2 = vector.extract_strided_slice %get3A_1 {offsets = [36, 0], sizes = [1, 2048], strides = [1, 1]} : vector<40x2048xf32> to vector<1x2048xf32>
    %sub3A = arith.subf %slice3A, %slice3A_2 : vector<1x2048xf32>
    %slice3A_3 = vector.extract_strided_slice %get3A_1 {offsets = [1, 0], sizes = [1, 2048], strides = [1, 1]} : vector<40x2048xf32> to vector<1x2048xf32>
    %slice3A_4 = vector.extract_strided_slice %get3A_1 {offsets = [37, 0], sizes = [1, 2048], strides = [1, 1]} : vector<40x2048xf32> to vector<1x2048xf32>
    %sub3A_5 = arith.subf %slice3A_3, %slice3A_4 : vector<1x2048xf32>
    %slice3A_6 = vector.extract_strided_slice %get3A_1 {offsets = [2, 0], sizes = [1, 2048], strides = [1, 1]} : vector<40x2048xf32> to vector<1x2048xf32>
    %slice3A_7 = vector.extract_strided_slice %get3A_1 {offsets = [38, 0], sizes = [1, 2048], strides = [1, 1]} : vector<40x2048xf32> to vector<1x2048xf32>
    %sub3A_8 = arith.subf %slice3A_6, %slice3A_7 : vector<1x2048xf32>
    %slice3A_9 = vector.extract_strided_slice %get3A_1 {offsets = [4, 0], sizes = [1, 2048], strides = [1, 1]} : vector<40x2048xf32> to vector<1x2048xf32>
    %slice3A_10 = vector.extract_strided_slice %get3A_1 {offsets = [36, 0], sizes = [1, 2048], strides = [1, 1]} : vector<40x2048xf32> to vector<1x2048xf32>
    %sub3A_11 = arith.subf %slice3A_9, %slice3A_10 : vector<1x2048xf32>
    %slice3A_12 = vector.extract_strided_slice %get3A_1 {offsets = [5, 0], sizes = [1, 2048], strides = [1, 1]} : vector<40x2048xf32> to vector<1x2048xf32>
    %slice3A_13 = vector.extract_strided_slice %get3A_1 {offsets = [37, 0], sizes = [1, 2048], strides = [1, 1]} : vector<40x2048xf32> to vector<1x2048xf32>
    %sub3A_14 = arith.subf %slice3A_12, %slice3A_13 : vector<1x2048xf32>
    %slice3A_15 = vector.extract_strided_slice %get3A_1 {offsets = [6, 0], sizes = [1, 2048], strides = [1, 1]} : vector<40x2048xf32> to vector<1x2048xf32>
    %slice3A_16 = vector.extract_strided_slice %get3A_1 {offsets = [38, 0], sizes = [1, 2048], strides = [1, 1]} : vector<40x2048xf32> to vector<1x2048xf32>
    %sub3A_17 = arith.subf %slice3A_15, %slice3A_16 : vector<1x2048xf32>
    %slice3A_18 = vector.extract_strided_slice %get3A_1 {offsets = [8, 0], sizes = [1, 2048], strides = [1, 1]} : vector<40x2048xf32> to vector<1x2048xf32>
    %slice3A_19 = vector.extract_strided_slice %get3A_1 {offsets = [36, 0], sizes = [1, 2048], strides = [1, 1]} : vector<40x2048xf32> to vector<1x2048xf32>
    %sub3A_20 = arith.subf %slice3A_18, %slice3A_19 : vector<1x2048xf32>
    %slice3A_21 = vector.extract_strided_slice %get3A_1 {offsets = [9, 0], sizes = [1, 2048], strides = [1, 1]} : vector<40x2048xf32> to vector<1x2048xf32>
    %slice3A_22 = vector.extract_strided_slice %get3A_1 {offsets = [37, 0], sizes = [1, 2048], strides = [1, 1]} : vector<40x2048xf32> to vector<1x2048xf32>
    %sub3A_23 = arith.subf %slice3A_21, %slice3A_22 : vector<1x2048xf32>
    %slice3A_24 = vector.extract_strided_slice %get3A_1 {offsets = [10, 0], sizes = [1, 2048], strides = [1, 1]} : vector<40x2048xf32> to vector<1x2048xf32>
    %slice3A_25 = vector.extract_strided_slice %get3A_1 {offsets = [38, 0], sizes = [1, 2048], strides = [1, 1]} : vector<40x2048xf32> to vector<1x2048xf32>
    %sub3A_26 = arith.subf %slice3A_24, %slice3A_25 : vector<1x2048xf32>
    %slice3A_27 = vector.extract_strided_slice %get3A_1 {offsets = [12, 0], sizes = [1, 2048], strides = [1, 1]} : vector<40x2048xf32> to vector<1x2048xf32>
    %slice3A_28 = vector.extract_strided_slice %get3A_1 {offsets = [36, 0], sizes = [1, 2048], strides = [1, 1]} : vector<40x2048xf32> to vector<1x2048xf32>
    %sub3A_29 = arith.subf %slice3A_27, %slice3A_28 : vector<1x2048xf32>
    %slice3A_30 = vector.extract_strided_slice %get3A_1 {offsets = [13, 0], sizes = [1, 2048], strides = [1, 1]} : vector<40x2048xf32> to vector<1x2048xf32>
    %slice3A_31 = vector.extract_strided_slice %get3A_1 {offsets = [37, 0], sizes = [1, 2048], strides = [1, 1]} : vector<40x2048xf32> to vector<1x2048xf32>
    %sub3A_32 = arith.subf %slice3A_30, %slice3A_31 : vector<1x2048xf32>
    %slice3A_33 = vector.extract_strided_slice %get3A_1 {offsets = [14, 0], sizes = [1, 2048], strides = [1, 1]} : vector<40x2048xf32> to vector<1x2048xf32>
    %slice3A_34 = vector.extract_strided_slice %get3A_1 {offsets = [38, 0], sizes = [1, 2048], strides = [1, 1]} : vector<40x2048xf32> to vector<1x2048xf32>
    %sub3A_35 = arith.subf %slice3A_33, %slice3A_34 : vector<1x2048xf32>
    %slice3A_36 = vector.extract_strided_slice %get3A_1 {offsets = [16, 0], sizes = [1, 2048], strides = [1, 1]} : vector<40x2048xf32> to vector<1x2048xf32>
    %slice3A_37 = vector.extract_strided_slice %get3A_1 {offsets = [36, 0], sizes = [1, 2048], strides = [1, 1]} : vector<40x2048xf32> to vector<1x2048xf32>
    %sub3A_38 = arith.subf %slice3A_36, %slice3A_37 : vector<1x2048xf32>
    %slice3A_39 = vector.extract_strided_slice %get3A_1 {offsets = [17, 0], sizes = [1, 2048], strides = [1, 1]} : vector<40x2048xf32> to vector<1x2048xf32>
    %slice3A_40 = vector.extract_strided_slice %get3A_1 {offsets = [37, 0], sizes = [1, 2048], strides = [1, 1]} : vector<40x2048xf32> to vector<1x2048xf32>
    %sub3A_41 = arith.subf %slice3A_39, %slice3A_40 : vector<1x2048xf32>
    %slice3A_42 = vector.extract_strided_slice %get3A_1 {offsets = [18, 0], sizes = [1, 2048], strides = [1, 1]} : vector<40x2048xf32> to vector<1x2048xf32>
    %slice3A_43 = vector.extract_strided_slice %get3A_1 {offsets = [38, 0], sizes = [1, 2048], strides = [1, 1]} : vector<40x2048xf32> to vector<1x2048xf32>
    %sub3A_44 = arith.subf %slice3A_42, %slice3A_43 : vector<1x2048xf32>
    %slice3A_45 = vector.extract_strided_slice %get3A_1 {offsets = [20, 0], sizes = [1, 2048], strides = [1, 1]} : vector<40x2048xf32> to vector<1x2048xf32>
    %slice3A_46 = vector.extract_strided_slice %get3A_1 {offsets = [36, 0], sizes = [1, 2048], strides = [1, 1]} : vector<40x2048xf32> to vector<1x2048xf32>
    %sub3A_47 = arith.subf %slice3A_45, %slice3A_46 : vector<1x2048xf32>
    %slice3A_48 = vector.extract_strided_slice %get3A_1 {offsets = [21, 0], sizes = [1, 2048], strides = [1, 1]} : vector<40x2048xf32> to vector<1x2048xf32>
    %slice3A_49 = vector.extract_strided_slice %get3A_1 {offsets = [37, 0], sizes = [1, 2048], strides = [1, 1]} : vector<40x2048xf32> to vector<1x2048xf32>
    %sub3A_50 = arith.subf %slice3A_48, %slice3A_49 : vector<1x2048xf32>
    %slice3A_51 = vector.extract_strided_slice %get3A_1 {offsets = [22, 0], sizes = [1, 2048], strides = [1, 1]} : vector<40x2048xf32> to vector<1x2048xf32>
    %slice3A_52 = vector.extract_strided_slice %get3A_1 {offsets = [38, 0], sizes = [1, 2048], strides = [1, 1]} : vector<40x2048xf32> to vector<1x2048xf32>
    %sub3A_53 = arith.subf %slice3A_51, %slice3A_52 : vector<1x2048xf32>
    %slice3A_54 = vector.extract_strided_slice %get3A_1 {offsets = [24, 0], sizes = [1, 2048], strides = [1, 1]} : vector<40x2048xf32> to vector<1x2048xf32>
    %slice3A_55 = vector.extract_strided_slice %get3A_1 {offsets = [36, 0], sizes = [1, 2048], strides = [1, 1]} : vector<40x2048xf32> to vector<1x2048xf32>
    %sub3A_56 = arith.subf %slice3A_54, %slice3A_55 : vector<1x2048xf32>
    %slice3A_57 = vector.extract_strided_slice %get3A_1 {offsets = [25, 0], sizes = [1, 2048], strides = [1, 1]} : vector<40x2048xf32> to vector<1x2048xf32>
    %slice3A_58 = vector.extract_strided_slice %get3A_1 {offsets = [37, 0], sizes = [1, 2048], strides = [1, 1]} : vector<40x2048xf32> to vector<1x2048xf32>
    %sub3A_59 = arith.subf %slice3A_57, %slice3A_58 : vector<1x2048xf32>
    %slice3A_60 = vector.extract_strided_slice %get3A_1 {offsets = [26, 0], sizes = [1, 2048], strides = [1, 1]} : vector<40x2048xf32> to vector<1x2048xf32>
    %slice3A_61 = vector.extract_strided_slice %get3A_1 {offsets = [38, 0], sizes = [1, 2048], strides = [1, 1]} : vector<40x2048xf32> to vector<1x2048xf32>
    %sub3A_62 = arith.subf %slice3A_60, %slice3A_61 : vector<1x2048xf32>
    %slice3A_63 = vector.extract_strided_slice %get3A_1 {offsets = [28, 0], sizes = [1, 2048], strides = [1, 1]} : vector<40x2048xf32> to vector<1x2048xf32>
    %slice3A_64 = vector.extract_strided_slice %get3A_1 {offsets = [36, 0], sizes = [1, 2048], strides = [1, 1]} : vector<40x2048xf32> to vector<1x2048xf32>
    %sub3A_65 = arith.subf %slice3A_63, %slice3A_64 : vector<1x2048xf32>
    %slice3A_66 = vector.extract_strided_slice %get3A_1 {offsets = [29, 0], sizes = [1, 2048], strides = [1, 1]} : vector<40x2048xf32> to vector<1x2048xf32>
    %slice3A_67 = vector.extract_strided_slice %get3A_1 {offsets = [37, 0], sizes = [1, 2048], strides = [1, 1]} : vector<40x2048xf32> to vector<1x2048xf32>
    %sub3A_68 = arith.subf %slice3A_66, %slice3A_67 : vector<1x2048xf32>
    %slice3A_69 = vector.extract_strided_slice %get3A_1 {offsets = [30, 0], sizes = [1, 2048], strides = [1, 1]} : vector<40x2048xf32> to vector<1x2048xf32>
    %slice3A_70 = vector.extract_strided_slice %get3A_1 {offsets = [38, 0], sizes = [1, 2048], strides = [1, 1]} : vector<40x2048xf32> to vector<1x2048xf32>
    %sub3A_71 = arith.subf %slice3A_69, %slice3A_70 : vector<1x2048xf32>
    %slice3A_72 = vector.extract_strided_slice %get3A_1 {offsets = [32, 0], sizes = [1, 2048], strides = [1, 1]} : vector<40x2048xf32> to vector<1x2048xf32>
    %slice3A_73 = vector.extract_strided_slice %get3A_1 {offsets = [36, 0], sizes = [1, 2048], strides = [1, 1]} : vector<40x2048xf32> to vector<1x2048xf32>
    %sub3A_74 = arith.subf %slice3A_72, %slice3A_73 : vector<1x2048xf32>
    %slice3A_75 = vector.extract_strided_slice %get3A_1 {offsets = [33, 0], sizes = [1, 2048], strides = [1, 1]} : vector<40x2048xf32> to vector<1x2048xf32>
    %slice3A_76 = vector.extract_strided_slice %get3A_1 {offsets = [37, 0], sizes = [1, 2048], strides = [1, 1]} : vector<40x2048xf32> to vector<1x2048xf32>
    %sub3A_77 = arith.subf %slice3A_75, %slice3A_76 : vector<1x2048xf32>
    %slice3A_78 = vector.extract_strided_slice %get3A_1 {offsets = [34, 0], sizes = [1, 2048], strides = [1, 1]} : vector<40x2048xf32> to vector<1x2048xf32>
    %slice3A_79 = vector.extract_strided_slice %get3A_1 {offsets = [38, 0], sizes = [1, 2048], strides = [1, 1]} : vector<40x2048xf32> to vector<1x2048xf32>
    %sub3A_80 = arith.subf %slice3A_78, %slice3A_79 : vector<1x2048xf32>
    %concatenate3A = tpu.concatenate %sub3A, %sub3A_11, %sub3A_20, %sub3A_29, %sub3A_38, %sub3A_47, %sub3A_56, %sub3A_65, %sub3A_74 in 0 : vector<1x2048xf32>, vector<1x2048xf32>, vector<1x2048xf32>, vector<1x2048xf32>, vector<1x2048xf32>, vector<1x2048xf32>, vector<1x2048xf32>, vector<1x2048xf32>, vector<1x2048xf32> -> vector<9x2048xf32>
    %concatenate3A_81 = tpu.concatenate %sub3A_5, %sub3A_14, %sub3A_23, %sub3A_32, %sub3A_41, %sub3A_50, %sub3A_59, %sub3A_68, %sub3A_77 in 0 : vector<1x2048xf32>, vector<1x2048xf32>, vector<1x2048xf32>, vector<1x2048xf32>, vector<1x2048xf32>, vector<1x2048xf32>, vector<1x2048xf32>, vector<1x2048xf32>, vector<1x2048xf32> -> vector<9x2048xf32>
    %concatenate3A_82 = tpu.concatenate %sub3A_8, %sub3A_17, %sub3A_26, %sub3A_35, %sub3A_44, %sub3A_53, %sub3A_62, %sub3A_71, %sub3A_80 in 0 : vector<1x2048xf32>, vector<1x2048xf32>, vector<1x2048xf32>, vector<1x2048xf32>, vector<1x2048xf32>, vector<1x2048xf32>, vector<1x2048xf32>, vector<1x2048xf32>, vector<1x2048xf32> -> vector<9x2048xf32>
    %convert_element_type3A = arith.truncf %concatenate3A : vector<9x2048xf32> to vector<9x2048xbf16>
    %convert_element_type3A_83 = arith.extf %convert_element_type3A : vector<9x2048xbf16> to vector<9x2048xf32>
    %convert_element_type3A_84 = arith.truncf %concatenate3A_81 : vector<9x2048xf32> to vector<9x2048xbf16>
    %convert_element_type3A_85 = arith.extf %convert_element_type3A_84 : vector<9x2048xbf16> to vector<9x2048xf32>
    %convert_element_type3A_86 = arith.truncf %concatenate3A_82 : vector<9x2048xf32> to vector<9x2048xbf16>
    %convert_element_type3A_87 = arith.extf %convert_element_type3A_86 : vector<9x2048xbf16> to vector<9x2048xf32>
    %mul3A = arith.constant 5.000000e-01 : f32
    %mul3A_88 = vector.broadcast %mul3A : f32 to vector<9x2048xf32>
    %mul3A_89 = arith.mulf %convert_element_type3A_83, %mul3A_88 : vector<9x2048xf32>
    %mul3A_90 = arith.constant 0.70703125 : f32
    %mul3A_91 = vector.broadcast %mul3A_90 : f32 to vector<9x2048xf32>
    %mul3A_92 = arith.mulf %convert_element_type3A_85, %mul3A_91 : vector<9x2048xf32>
    %add3A = arith.addf %mul3A_89, %mul3A_92 : vector<9x2048xf32>
    %mul3A_93 = arith.constant -5.000000e-01 : f32
    %mul3A_94 = vector.broadcast %mul3A_93 : f32 to vector<9x2048xf32>
    %mul3A_95 = arith.mulf %convert_element_type3A_87, %mul3A_94 : vector<9x2048xf32>
    %add3A_96 = arith.addf %add3A, %mul3A_95 : vector<9x2048xf32>
    %mul3A_97 = arith.constant -5.000000e-01 : f32
    %mul3A_98 = vector.broadcast %mul3A_97 : f32 to vector<9x2048xf32>
    %mul3A_99 = arith.mulf %convert_element_type3A_83, %mul3A_98 : vector<9x2048xf32>
    %mul3A_100 = arith.constant 0.70703125 : f32
    %mul3A_101 = vector.broadcast %mul3A_100 : f32 to vector<9x2048xf32>
    %mul3A_102 = arith.mulf %convert_element_type3A_85, %mul3A_101 : vector<9x2048xf32>
    %add3A_103 = arith.addf %mul3A_99, %mul3A_102 : vector<9x2048xf32>
    %mul3A_104 = arith.constant 5.000000e-01 : f32
    %mul3A_105 = vector.broadcast %mul3A_104 : f32 to vector<9x2048xf32>
    %mul3A_106 = arith.mulf %convert_element_type3A_87, %mul3A_105 : vector<9x2048xf32>
    %add3A_107 = arith.addf %add3A_103, %mul3A_106 : vector<9x2048xf32>
    %abs3A = math.absf %add3A_96 : vector<9x2048xf32>
    %abs3A_108 = math.absf %add3A_107 : vector<9x2048xf32>
    %add3A_109 = arith.addf %abs3A, %abs3A_108 : vector<9x2048xf32>
    %max3A = arith.constant 1.000000e-30 : f32
    %max3A_110 = vector.broadcast %max3A : f32 to vector<9x2048xf32>
    %max3A_111 = arith.maximumf %add3A_109, %max3A_110 : vector<9x2048xf32>
    %div3A = arith.divf %add3A_107, %max3A_111 : vector<9x2048xf32>
    %ge3A = arith.constant 0.000000e+00 : f32
    %ge3A_112 = vector.broadcast %ge3A : f32 to vector<9x2048xf32>
    %ge3A_113 = arith.cmpf oge, %add3A_96, %ge3A_112 : vector<9x2048xf32>
    %ge3A_114 = arith.constant 0.000000e+00 : f32
    %ge3A_115 = vector.broadcast %ge3A_114 : f32 to vector<9x2048xf32>
    %ge3A_116 = arith.cmpf oge, %add3A_107, %ge3A_115 : vector<9x2048xf32>
    %sub3A_117 = arith.constant 2.000000e+00 : f32
    %sub3A_118 = vector.broadcast %sub3A_117 : f32 to vector<9x2048xf32>
    %sub3A_119 = arith.subf %sub3A_118, %div3A : vector<9x2048xf32>
    %sub3A_120 = arith.constant -2.000000e+00 : f32
    %sub3A_121 = vector.broadcast %sub3A_120 : f32 to vector<9x2048xf32>
    %sub3A_122 = arith.subf %sub3A_121, %div3A : vector<9x2048xf32>
    %select_n3A = arith.select %ge3A_116, %sub3A_119, %sub3A_122 : vector<9x2048xi1>, vector<9x2048xf32>
    %select_n3A_123 = arith.select %ge3A_113, %div3A, %select_n3A : vector<9x2048xi1>, vector<9x2048xf32>
    %iota3A = tpu.iota {dimensions = array<i32: 0>} : vector<9x2048xi32>
    %reduce_min3A = arith.constant dense<0x7F800000> : vector<2048xf32>
    %reduce_min3A_124 = vector.multi_reduction <minimumf>, %select_n3A_123, %reduce_min3A [0] : vector<9x2048xf32> to vector<2048xf32>
    %broadcast_in_dim3A = vector.shape_cast %reduce_min3A_124 : vector<2048xf32> to vector<1x2048xf32>
    %eq3A = vector.broadcast %broadcast_in_dim3A : vector<1x2048xf32> to vector<9x2048xf32>
    %eq3A_125 = arith.cmpf oeq, %select_n3A_123, %eq3A : vector<9x2048xf32>
    %jit3A = arith.constant 9 : i32
    %broadcast_in_dim3A_126 = vector.broadcast %jit3A : i32 to vector<9x2048xi32>
    %select_n3A_127 = arith.select %eq3A_125, %iota3A, %broadcast_in_dim3A_126 : vector<9x2048xi1>, vector<9x2048xi32>
    %reduce_min3A_128 = arith.constant dense<2147483647> : vector<2048xi32>
    %reduce_min3A_129 = vector.multi_reduction <minsi>, %select_n3A_127, %reduce_min3A_128 [0] : vector<9x2048xi32> to vector<2048xi32>
    %broadcast_in_dim3A_130 = vector.shape_cast %reduce_min3A_129 : vector<2048xi32> to vector<1x2048xi32>
    %eq3A_131 = vector.broadcast %broadcast_in_dim3A_130 : vector<1x2048xi32> to vector<9x2048xi32>
    %eq3A_132 = arith.cmpi eq, %iota3A, %eq3A_131 : vector<9x2048xi32>
    %jit3A_133 = arith.constant 0.000000e+00 : f32
    %broadcast_in_dim3A_134 = vector.broadcast %jit3A_133 : f32 to vector<9x2048xf32>
    %select_n3A_135 = arith.select %eq3A_132, %concatenate3A, %broadcast_in_dim3A_134 : vector<9x2048xi1>, vector<9x2048xf32>
    %reduce_sum3A = arith.constant dense<0.000000e+00> : vector<2048xf32>
    %reduce_sum3A_136 = vector.multi_reduction <add>, %select_n3A_135, %reduce_sum3A [0] : vector<9x2048xf32> to vector<2048xf32>
    %broadcast_in_dim3A_137 = vector.shape_cast %reduce_sum3A_136 : vector<2048xf32> to vector<1x2048xf32>
    %jit3A_138 = arith.constant 0.000000e+00 : f32
    %broadcast_in_dim3A_139 = vector.broadcast %jit3A_138 : f32 to vector<9x2048xf32>
    %select_n3A_140 = arith.select %eq3A_132, %concatenate3A_81, %broadcast_in_dim3A_139 : vector<9x2048xi1>, vector<9x2048xf32>
    %reduce_sum3A_141 = arith.constant dense<0.000000e+00> : vector<2048xf32>
    %reduce_sum3A_142 = vector.multi_reduction <add>, %select_n3A_140, %reduce_sum3A_141 [0] : vector<9x2048xf32> to vector<2048xf32>
    %broadcast_in_dim3A_143 = vector.shape_cast %reduce_sum3A_142 : vector<2048xf32> to vector<1x2048xf32>
    %jit3A_144 = arith.constant 0.000000e+00 : f32
    %broadcast_in_dim3A_145 = vector.broadcast %jit3A_144 : f32 to vector<9x2048xf32>
    %select_n3A_146 = arith.select %eq3A_132, %concatenate3A_82, %broadcast_in_dim3A_145 : vector<9x2048xi1>, vector<9x2048xf32>
    %reduce_sum3A_147 = arith.constant dense<0.000000e+00> : vector<2048xf32>
    %reduce_sum3A_148 = vector.multi_reduction <add>, %select_n3A_146, %reduce_sum3A_147 [0] : vector<9x2048xf32> to vector<2048xf32>
    %broadcast_in_dim3A_149 = vector.shape_cast %reduce_sum3A_148 : vector<2048xf32> to vector<1x2048xf32>
    %jit3A_150 = arith.constant 0x7F800000 : f32
    %broadcast_in_dim3A_151 = vector.broadcast %jit3A_150 : f32 to vector<9x2048xf32>
    %select_n3A_152 = arith.select %eq3A_132, %broadcast_in_dim3A_151, %select_n3A_123 : vector<9x2048xi1>, vector<9x2048xf32>
    %reduce_min3A_153 = arith.constant dense<0x7F800000> : vector<2048xf32>
    %reduce_min3A_154 = vector.multi_reduction <minimumf>, %select_n3A_152, %reduce_min3A_153 [0] : vector<9x2048xf32> to vector<2048xf32>
    %broadcast_in_dim3A_155 = vector.shape_cast %reduce_min3A_154 : vector<2048xf32> to vector<1x2048xf32>
    %eq3A_156 = vector.broadcast %broadcast_in_dim3A_155 : vector<1x2048xf32> to vector<9x2048xf32>
    %eq3A_157 = arith.cmpf oeq, %select_n3A_152, %eq3A_156 : vector<9x2048xf32>
    %jit3A_158 = arith.constant 9 : i32
    %broadcast_in_dim3A_159 = vector.broadcast %jit3A_158 : i32 to vector<9x2048xi32>
    %select_n3A_160 = arith.select %eq3A_157, %iota3A, %broadcast_in_dim3A_159 : vector<9x2048xi1>, vector<9x2048xi32>
    %reduce_min3A_161 = arith.constant dense<2147483647> : vector<2048xi32>
    %reduce_min3A_162 = vector.multi_reduction <minsi>, %select_n3A_160, %reduce_min3A_161 [0] : vector<9x2048xi32> to vector<2048xi32>
    %broadcast_in_dim3A_163 = vector.shape_cast %reduce_min3A_162 : vector<2048xi32> to vector<1x2048xi32>
    %eq3A_164 = vector.broadcast %broadcast_in_dim3A_163 : vector<1x2048xi32> to vector<9x2048xi32>
    %eq3A_165 = arith.cmpi eq, %iota3A, %eq3A_164 : vector<9x2048xi32>
    %jit3A_166 = arith.constant 0.000000e+00 : f32
    %broadcast_in_dim3A_167 = vector.broadcast %jit3A_166 : f32 to vector<9x2048xf32>
    %select_n3A_168 = arith.select %eq3A_165, %concatenate3A, %broadcast_in_dim3A_167 : vector<9x2048xi1>, vector<9x2048xf32>
    %reduce_sum3A_169 = arith.constant dense<0.000000e+00> : vector<2048xf32>
    %reduce_sum3A_170 = vector.multi_reduction <add>, %select_n3A_168, %reduce_sum3A_169 [0] : vector<9x2048xf32> to vector<2048xf32>
    %broadcast_in_dim3A_171 = vector.shape_cast %reduce_sum3A_170 : vector<2048xf32> to vector<1x2048xf32>
    %jit3A_172 = arith.constant 0.000000e+00 : f32
    %broadcast_in_dim3A_173 = vector.broadcast %jit3A_172 : f32 to vector<9x2048xf32>
    %select_n3A_174 = arith.select %eq3A_165, %concatenate3A_81, %broadcast_in_dim3A_173 : vector<9x2048xi1>, vector<9x2048xf32>
    %reduce_sum3A_175 = arith.constant dense<0.000000e+00> : vector<2048xf32>
    %reduce_sum3A_176 = vector.multi_reduction <add>, %select_n3A_174, %reduce_sum3A_175 [0] : vector<9x2048xf32> to vector<2048xf32>
    %broadcast_in_dim3A_177 = vector.shape_cast %reduce_sum3A_176 : vector<2048xf32> to vector<1x2048xf32>
    %jit3A_178 = arith.constant 0.000000e+00 : f32
    %broadcast_in_dim3A_179 = vector.broadcast %jit3A_178 : f32 to vector<9x2048xf32>
    %select_n3A_180 = arith.select %eq3A_165, %concatenate3A_82, %broadcast_in_dim3A_179 : vector<9x2048xi1>, vector<9x2048xf32>
    %reduce_sum3A_181 = arith.constant dense<0.000000e+00> : vector<2048xf32>
    %reduce_sum3A_182 = vector.multi_reduction <add>, %select_n3A_180, %reduce_sum3A_181 [0] : vector<9x2048xf32> to vector<2048xf32>
    %broadcast_in_dim3A_183 = vector.shape_cast %reduce_sum3A_182 : vector<2048xf32> to vector<1x2048xf32>
    %jit3A_184 = arith.constant 0x7F800000 : f32
    %broadcast_in_dim3A_185 = vector.broadcast %jit3A_184 : f32 to vector<9x2048xf32>
    %select_n3A_186 = arith.select %eq3A_165, %broadcast_in_dim3A_185, %select_n3A_152 : vector<9x2048xi1>, vector<9x2048xf32>
    %reduce_min3A_187 = arith.constant dense<0x7F800000> : vector<2048xf32>
    %reduce_min3A_188 = vector.multi_reduction <minimumf>, %select_n3A_186, %reduce_min3A_187 [0] : vector<9x2048xf32> to vector<2048xf32>
    %broadcast_in_dim3A_189 = vector.shape_cast %reduce_min3A_188 : vector<2048xf32> to vector<1x2048xf32>
    %eq3A_190 = vector.broadcast %broadcast_in_dim3A_189 : vector<1x2048xf32> to vector<9x2048xf32>
    %eq3A_191 = arith.cmpf oeq, %select_n3A_186, %eq3A_190 : vector<9x2048xf32>
    %jit3A_192 = arith.constant 9 : i32
    %broadcast_in_dim3A_193 = vector.broadcast %jit3A_192 : i32 to vector<9x2048xi32>
    %select_n3A_194 = arith.select %eq3A_191, %iota3A, %broadcast_in_dim3A_193 : vector<9x2048xi1>, vector<9x2048xi32>
    %reduce_min3A_195 = arith.constant dense<2147483647> : vector<2048xi32>
    %reduce_min3A_196 = vector.multi_reduction <minsi>, %select_n3A_194, %reduce_min3A_195 [0] : vector<9x2048xi32> to vector<2048xi32>
    %broadcast_in_dim3A_197 = vector.shape_cast %reduce_min3A_196 : vector<2048xi32> to vector<1x2048xi32>
    %eq3A_198 = vector.broadcast %broadcast_in_dim3A_197 : vector<1x2048xi32> to vector<9x2048xi32>
    %eq3A_199 = arith.cmpi eq, %iota3A, %eq3A_198 : vector<9x2048xi32>
    %jit3A_200 = arith.constant 0.000000e+00 : f32
    %broadcast_in_dim3A_201 = vector.broadcast %jit3A_200 : f32 to vector<9x2048xf32>
    %select_n3A_202 = arith.select %eq3A_199, %concatenate3A, %broadcast_in_dim3A_201 : vector<9x2048xi1>, vector<9x2048xf32>
    %reduce_sum3A_203 = arith.constant dense<0.000000e+00> : vector<2048xf32>
    %reduce_sum3A_204 = vector.multi_reduction <add>, %select_n3A_202, %reduce_sum3A_203 [0] : vector<9x2048xf32> to vector<2048xf32>
    %broadcast_in_dim3A_205 = vector.shape_cast %reduce_sum3A_204 : vector<2048xf32> to vector<1x2048xf32>
    %jit3A_206 = arith.constant 0.000000e+00 : f32
    %broadcast_in_dim3A_207 = vector.broadcast %jit3A_206 : f32 to vector<9x2048xf32>
    %select_n3A_208 = arith.select %eq3A_199, %concatenate3A_81, %broadcast_in_dim3A_207 : vector<9x2048xi1>, vector<9x2048xf32>
    %reduce_sum3A_209 = arith.constant dense<0.000000e+00> : vector<2048xf32>
    %reduce_sum3A_210 = vector.multi_reduction <add>, %select_n3A_208, %reduce_sum3A_209 [0] : vector<9x2048xf32> to vector<2048xf32>
    %broadcast_in_dim3A_211 = vector.shape_cast %reduce_sum3A_210 : vector<2048xf32> to vector<1x2048xf32>
    %jit3A_212 = arith.constant 0.000000e+00 : f32
    %broadcast_in_dim3A_213 = vector.broadcast %jit3A_212 : f32 to vector<9x2048xf32>
    %select_n3A_214 = arith.select %eq3A_199, %concatenate3A_82, %broadcast_in_dim3A_213 : vector<9x2048xi1>, vector<9x2048xf32>
    %reduce_sum3A_215 = arith.constant dense<0.000000e+00> : vector<2048xf32>
    %reduce_sum3A_216 = vector.multi_reduction <add>, %select_n3A_214, %reduce_sum3A_215 [0] : vector<9x2048xf32> to vector<2048xf32>
    %broadcast_in_dim3A_217 = vector.shape_cast %reduce_sum3A_216 : vector<2048xf32> to vector<1x2048xf32>
    %jit3A_218 = arith.constant 0x7F800000 : f32
    %broadcast_in_dim3A_219 = vector.broadcast %jit3A_218 : f32 to vector<9x2048xf32>
    %select_n3A_220 = arith.select %eq3A_199, %broadcast_in_dim3A_219, %select_n3A_186 : vector<9x2048xi1>, vector<9x2048xf32>
    %reduce_min3A_221 = arith.constant dense<0x7F800000> : vector<2048xf32>
    %reduce_min3A_222 = vector.multi_reduction <minimumf>, %select_n3A_220, %reduce_min3A_221 [0] : vector<9x2048xf32> to vector<2048xf32>
    %broadcast_in_dim3A_223 = vector.shape_cast %reduce_min3A_222 : vector<2048xf32> to vector<1x2048xf32>
    %eq3A_224 = vector.broadcast %broadcast_in_dim3A_223 : vector<1x2048xf32> to vector<9x2048xf32>
    %eq3A_225 = arith.cmpf oeq, %select_n3A_220, %eq3A_224 : vector<9x2048xf32>
    %jit3A_226 = arith.constant 9 : i32
    %broadcast_in_dim3A_227 = vector.broadcast %jit3A_226 : i32 to vector<9x2048xi32>
    %select_n3A_228 = arith.select %eq3A_225, %iota3A, %broadcast_in_dim3A_227 : vector<9x2048xi1>, vector<9x2048xi32>
    %reduce_min3A_229 = arith.constant dense<2147483647> : vector<2048xi32>
    %reduce_min3A_230 = vector.multi_reduction <minsi>, %select_n3A_228, %reduce_min3A_229 [0] : vector<9x2048xi32> to vector<2048xi32>
    %broadcast_in_dim3A_231 = vector.shape_cast %reduce_min3A_230 : vector<2048xi32> to vector<1x2048xi32>
    %eq3A_232 = vector.broadcast %broadcast_in_dim3A_231 : vector<1x2048xi32> to vector<9x2048xi32>
    %eq3A_233 = arith.cmpi eq, %iota3A, %eq3A_232 : vector<9x2048xi32>
    %jit3A_234 = arith.constant 0.000000e+00 : f32
    %broadcast_in_dim3A_235 = vector.broadcast %jit3A_234 : f32 to vector<9x2048xf32>
    %select_n3A_236 = arith.select %eq3A_233, %concatenate3A, %broadcast_in_dim3A_235 : vector<9x2048xi1>, vector<9x2048xf32>
    %reduce_sum3A_237 = arith.constant dense<0.000000e+00> : vector<2048xf32>
    %reduce_sum3A_238 = vector.multi_reduction <add>, %select_n3A_236, %reduce_sum3A_237 [0] : vector<9x2048xf32> to vector<2048xf32>
    %broadcast_in_dim3A_239 = vector.shape_cast %reduce_sum3A_238 : vector<2048xf32> to vector<1x2048xf32>
    %jit3A_240 = arith.constant 0.000000e+00 : f32
    %broadcast_in_dim3A_241 = vector.broadcast %jit3A_240 : f32 to vector<9x2048xf32>
    %select_n3A_242 = arith.select %eq3A_233, %concatenate3A_81, %broadcast_in_dim3A_241 : vector<9x2048xi1>, vector<9x2048xf32>
    %reduce_sum3A_243 = arith.constant dense<0.000000e+00> : vector<2048xf32>
    %reduce_sum3A_244 = vector.multi_reduction <add>, %select_n3A_242, %reduce_sum3A_243 [0] : vector<9x2048xf32> to vector<2048xf32>
    %broadcast_in_dim3A_245 = vector.shape_cast %reduce_sum3A_244 : vector<2048xf32> to vector<1x2048xf32>
    %jit3A_246 = arith.constant 0.000000e+00 : f32
    %broadcast_in_dim3A_247 = vector.broadcast %jit3A_246 : f32 to vector<9x2048xf32>
    %select_n3A_248 = arith.select %eq3A_233, %concatenate3A_82, %broadcast_in_dim3A_247 : vector<9x2048xi1>, vector<9x2048xf32>
    %reduce_sum3A_249 = arith.constant dense<0.000000e+00> : vector<2048xf32>
    %reduce_sum3A_250 = vector.multi_reduction <add>, %select_n3A_248, %reduce_sum3A_249 [0] : vector<9x2048xf32> to vector<2048xf32>
    %broadcast_in_dim3A_251 = vector.shape_cast %reduce_sum3A_250 : vector<2048xf32> to vector<1x2048xf32>
    %jit3A_252 = arith.constant 0x7F800000 : f32
    %broadcast_in_dim3A_253 = vector.broadcast %jit3A_252 : f32 to vector<9x2048xf32>
    %select_n3A_254 = arith.select %eq3A_233, %broadcast_in_dim3A_253, %select_n3A_220 : vector<9x2048xi1>, vector<9x2048xf32>
    %reduce_min3A_255 = arith.constant dense<0x7F800000> : vector<2048xf32>
    %reduce_min3A_256 = vector.multi_reduction <minimumf>, %select_n3A_254, %reduce_min3A_255 [0] : vector<9x2048xf32> to vector<2048xf32>
    %broadcast_in_dim3A_257 = vector.shape_cast %reduce_min3A_256 : vector<2048xf32> to vector<1x2048xf32>
    %eq3A_258 = vector.broadcast %broadcast_in_dim3A_257 : vector<1x2048xf32> to vector<9x2048xf32>
    %eq3A_259 = arith.cmpf oeq, %select_n3A_254, %eq3A_258 : vector<9x2048xf32>
    %jit3A_260 = arith.constant 9 : i32
    %broadcast_in_dim3A_261 = vector.broadcast %jit3A_260 : i32 to vector<9x2048xi32>
    %select_n3A_262 = arith.select %eq3A_259, %iota3A, %broadcast_in_dim3A_261 : vector<9x2048xi1>, vector<9x2048xi32>
    %reduce_min3A_263 = arith.constant dense<2147483647> : vector<2048xi32>
    %reduce_min3A_264 = vector.multi_reduction <minsi>, %select_n3A_262, %reduce_min3A_263 [0] : vector<9x2048xi32> to vector<2048xi32>
    %broadcast_in_dim3A_265 = vector.shape_cast %reduce_min3A_264 : vector<2048xi32> to vector<1x2048xi32>
    %eq3A_266 = vector.broadcast %broadcast_in_dim3A_265 : vector<1x2048xi32> to vector<9x2048xi32>
    %eq3A_267 = arith.cmpi eq, %iota3A, %eq3A_266 : vector<9x2048xi32>
    %jit3A_268 = arith.constant 0.000000e+00 : f32
    %broadcast_in_dim3A_269 = vector.broadcast %jit3A_268 : f32 to vector<9x2048xf32>
    %select_n3A_270 = arith.select %eq3A_267, %concatenate3A, %broadcast_in_dim3A_269 : vector<9x2048xi1>, vector<9x2048xf32>
    %reduce_sum3A_271 = arith.constant dense<0.000000e+00> : vector<2048xf32>
    %reduce_sum3A_272 = vector.multi_reduction <add>, %select_n3A_270, %reduce_sum3A_271 [0] : vector<9x2048xf32> to vector<2048xf32>
    %broadcast_in_dim3A_273 = vector.shape_cast %reduce_sum3A_272 : vector<2048xf32> to vector<1x2048xf32>
    %jit3A_274 = arith.constant 0.000000e+00 : f32
    %broadcast_in_dim3A_275 = vector.broadcast %jit3A_274 : f32 to vector<9x2048xf32>
    %select_n3A_276 = arith.select %eq3A_267, %concatenate3A_81, %broadcast_in_dim3A_275 : vector<9x2048xi1>, vector<9x2048xf32>
    %reduce_sum3A_277 = arith.constant dense<0.000000e+00> : vector<2048xf32>
    %reduce_sum3A_278 = vector.multi_reduction <add>, %select_n3A_276, %reduce_sum3A_277 [0] : vector<9x2048xf32> to vector<2048xf32>
    %broadcast_in_dim3A_279 = vector.shape_cast %reduce_sum3A_278 : vector<2048xf32> to vector<1x2048xf32>
    %jit3A_280 = arith.constant 0.000000e+00 : f32
    %broadcast_in_dim3A_281 = vector.broadcast %jit3A_280 : f32 to vector<9x2048xf32>
    %select_n3A_282 = arith.select %eq3A_267, %concatenate3A_82, %broadcast_in_dim3A_281 : vector<9x2048xi1>, vector<9x2048xf32>
    %reduce_sum3A_283 = arith.constant dense<0.000000e+00> : vector<2048xf32>
    %reduce_sum3A_284 = vector.multi_reduction <add>, %select_n3A_282, %reduce_sum3A_283 [0] : vector<9x2048xf32> to vector<2048xf32>
    %broadcast_in_dim3A_285 = vector.shape_cast %reduce_sum3A_284 : vector<2048xf32> to vector<1x2048xf32>
    %jit3A_286 = arith.constant 0x7F800000 : f32
    %broadcast_in_dim3A_287 = vector.broadcast %jit3A_286 : f32 to vector<9x2048xf32>
    %select_n3A_288 = arith.select %eq3A_267, %broadcast_in_dim3A_287, %select_n3A_254 : vector<9x2048xi1>, vector<9x2048xf32>
    %reduce_min3A_289 = arith.constant dense<0x7F800000> : vector<2048xf32>
    %reduce_min3A_290 = vector.multi_reduction <minimumf>, %select_n3A_288, %reduce_min3A_289 [0] : vector<9x2048xf32> to vector<2048xf32>
    %broadcast_in_dim3A_291 = vector.shape_cast %reduce_min3A_290 : vector<2048xf32> to vector<1x2048xf32>
    %eq3A_292 = vector.broadcast %broadcast_in_dim3A_291 : vector<1x2048xf32> to vector<9x2048xf32>
    %eq3A_293 = arith.cmpf oeq, %select_n3A_288, %eq3A_292 : vector<9x2048xf32>
    %jit3A_294 = arith.constant 9 : i32
    %broadcast_in_dim3A_295 = vector.broadcast %jit3A_294 : i32 to vector<9x2048xi32>
    %select_n3A_296 = arith.select %eq3A_293, %iota3A, %broadcast_in_dim3A_295 : vector<9x2048xi1>, vector<9x2048xi32>
    %reduce_min3A_297 = arith.constant dense<2147483647> : vector<2048xi32>
    %reduce_min3A_298 = vector.multi_reduction <minsi>, %select_n3A_296, %reduce_min3A_297 [0] : vector<9x2048xi32> to vector<2048xi32>
    %broadcast_in_dim3A_299 = vector.shape_cast %reduce_min3A_298 : vector<2048xi32> to vector<1x2048xi32>
    %eq3A_300 = vector.broadcast %broadcast_in_dim3A_299 : vector<1x2048xi32> to vector<9x2048xi32>
    %eq3A_301 = arith.cmpi eq, %iota3A, %eq3A_300 : vector<9x2048xi32>
    %jit3A_302 = arith.constant 0.000000e+00 : f32
    %broadcast_in_dim3A_303 = vector.broadcast %jit3A_302 : f32 to vector<9x2048xf32>
    %select_n3A_304 = arith.select %eq3A_301, %concatenate3A, %broadcast_in_dim3A_303 : vector<9x2048xi1>, vector<9x2048xf32>
    %reduce_sum3A_305 = arith.constant dense<0.000000e+00> : vector<2048xf32>
    %reduce_sum3A_306 = vector.multi_reduction <add>, %select_n3A_304, %reduce_sum3A_305 [0] : vector<9x2048xf32> to vector<2048xf32>
    %broadcast_in_dim3A_307 = vector.shape_cast %reduce_sum3A_306 : vector<2048xf32> to vector<1x2048xf32>
    %jit3A_308 = arith.constant 0.000000e+00 : f32
    %broadcast_in_dim3A_309 = vector.broadcast %jit3A_308 : f32 to vector<9x2048xf32>
    %select_n3A_310 = arith.select %eq3A_301, %concatenate3A_81, %broadcast_in_dim3A_309 : vector<9x2048xi1>, vector<9x2048xf32>
    %reduce_sum3A_311 = arith.constant dense<0.000000e+00> : vector<2048xf32>
    %reduce_sum3A_312 = vector.multi_reduction <add>, %select_n3A_310, %reduce_sum3A_311 [0] : vector<9x2048xf32> to vector<2048xf32>
    %broadcast_in_dim3A_313 = vector.shape_cast %reduce_sum3A_312 : vector<2048xf32> to vector<1x2048xf32>
    %jit3A_314 = arith.constant 0.000000e+00 : f32
    %broadcast_in_dim3A_315 = vector.broadcast %jit3A_314 : f32 to vector<9x2048xf32>
    %select_n3A_316 = arith.select %eq3A_301, %concatenate3A_82, %broadcast_in_dim3A_315 : vector<9x2048xi1>, vector<9x2048xf32>
    %reduce_sum3A_317 = arith.constant dense<0.000000e+00> : vector<2048xf32>
    %reduce_sum3A_318 = vector.multi_reduction <add>, %select_n3A_316, %reduce_sum3A_317 [0] : vector<9x2048xf32> to vector<2048xf32>
    %broadcast_in_dim3A_319 = vector.shape_cast %reduce_sum3A_318 : vector<2048xf32> to vector<1x2048xf32>
    %jit3A_320 = arith.constant 0x7F800000 : f32
    %broadcast_in_dim3A_321 = vector.broadcast %jit3A_320 : f32 to vector<9x2048xf32>
    %select_n3A_322 = arith.select %eq3A_301, %broadcast_in_dim3A_321, %select_n3A_288 : vector<9x2048xi1>, vector<9x2048xf32>
    %reduce_min3A_323 = arith.constant dense<0x7F800000> : vector<2048xf32>
    %reduce_min3A_324 = vector.multi_reduction <minimumf>, %select_n3A_322, %reduce_min3A_323 [0] : vector<9x2048xf32> to vector<2048xf32>
    %broadcast_in_dim3A_325 = vector.shape_cast %reduce_min3A_324 : vector<2048xf32> to vector<1x2048xf32>
    %eq3A_326 = vector.broadcast %broadcast_in_dim3A_325 : vector<1x2048xf32> to vector<9x2048xf32>
    %eq3A_327 = arith.cmpf oeq, %select_n3A_322, %eq3A_326 : vector<9x2048xf32>
    %jit3A_328 = arith.constant 9 : i32
    %broadcast_in_dim3A_329 = vector.broadcast %jit3A_328 : i32 to vector<9x2048xi32>
    %select_n3A_330 = arith.select %eq3A_327, %iota3A, %broadcast_in_dim3A_329 : vector<9x2048xi1>, vector<9x2048xi32>
    %reduce_min3A_331 = arith.constant dense<2147483647> : vector<2048xi32>
    %reduce_min3A_332 = vector.multi_reduction <minsi>, %select_n3A_330, %reduce_min3A_331 [0] : vector<9x2048xi32> to vector<2048xi32>
    %broadcast_in_dim3A_333 = vector.shape_cast %reduce_min3A_332 : vector<2048xi32> to vector<1x2048xi32>
    %eq3A_334 = vector.broadcast %broadcast_in_dim3A_333 : vector<1x2048xi32> to vector<9x2048xi32>
    %eq3A_335 = arith.cmpi eq, %iota3A, %eq3A_334 : vector<9x2048xi32>
    %jit3A_336 = arith.constant 0.000000e+00 : f32
    %broadcast_in_dim3A_337 = vector.broadcast %jit3A_336 : f32 to vector<9x2048xf32>
    %select_n3A_338 = arith.select %eq3A_335, %concatenate3A, %broadcast_in_dim3A_337 : vector<9x2048xi1>, vector<9x2048xf32>
    %reduce_sum3A_339 = arith.constant dense<0.000000e+00> : vector<2048xf32>
    %reduce_sum3A_340 = vector.multi_reduction <add>, %select_n3A_338, %reduce_sum3A_339 [0] : vector<9x2048xf32> to vector<2048xf32>
    %broadcast_in_dim3A_341 = vector.shape_cast %reduce_sum3A_340 : vector<2048xf32> to vector<1x2048xf32>
    %jit3A_342 = arith.constant 0.000000e+00 : f32
    %broadcast_in_dim3A_343 = vector.broadcast %jit3A_342 : f32 to vector<9x2048xf32>
    %select_n3A_344 = arith.select %eq3A_335, %concatenate3A_81, %broadcast_in_dim3A_343 : vector<9x2048xi1>, vector<9x2048xf32>
    %reduce_sum3A_345 = arith.constant dense<0.000000e+00> : vector<2048xf32>
    %reduce_sum3A_346 = vector.multi_reduction <add>, %select_n3A_344, %reduce_sum3A_345 [0] : vector<9x2048xf32> to vector<2048xf32>
    %broadcast_in_dim3A_347 = vector.shape_cast %reduce_sum3A_346 : vector<2048xf32> to vector<1x2048xf32>
    %jit3A_348 = arith.constant 0.000000e+00 : f32
    %broadcast_in_dim3A_349 = vector.broadcast %jit3A_348 : f32 to vector<9x2048xf32>
    %select_n3A_350 = arith.select %eq3A_335, %concatenate3A_82, %broadcast_in_dim3A_349 : vector<9x2048xi1>, vector<9x2048xf32>
    %reduce_sum3A_351 = arith.constant dense<0.000000e+00> : vector<2048xf32>
    %reduce_sum3A_352 = vector.multi_reduction <add>, %select_n3A_350, %reduce_sum3A_351 [0] : vector<9x2048xf32> to vector<2048xf32>
    %broadcast_in_dim3A_353 = vector.shape_cast %reduce_sum3A_352 : vector<2048xf32> to vector<1x2048xf32>
    %jit3A_354 = arith.constant 0x7F800000 : f32
    %broadcast_in_dim3A_355 = vector.broadcast %jit3A_354 : f32 to vector<9x2048xf32>
    %select_n3A_356 = arith.select %eq3A_335, %broadcast_in_dim3A_355, %select_n3A_322 : vector<9x2048xi1>, vector<9x2048xf32>
    %reduce_min3A_357 = arith.constant dense<0x7F800000> : vector<2048xf32>
    %reduce_min3A_358 = vector.multi_reduction <minimumf>, %select_n3A_356, %reduce_min3A_357 [0] : vector<9x2048xf32> to vector<2048xf32>
    %broadcast_in_dim3A_359 = vector.shape_cast %reduce_min3A_358 : vector<2048xf32> to vector<1x2048xf32>
    %eq3A_360 = vector.broadcast %broadcast_in_dim3A_359 : vector<1x2048xf32> to vector<9x2048xf32>
    %eq3A_361 = arith.cmpf oeq, %select_n3A_356, %eq3A_360 : vector<9x2048xf32>
    %jit3A_362 = arith.constant 9 : i32
    %broadcast_in_dim3A_363 = vector.broadcast %jit3A_362 : i32 to vector<9x2048xi32>
    %select_n3A_364 = arith.select %eq3A_361, %iota3A, %broadcast_in_dim3A_363 : vector<9x2048xi1>, vector<9x2048xi32>
    %reduce_min3A_365 = arith.constant dense<2147483647> : vector<2048xi32>
    %reduce_min3A_366 = vector.multi_reduction <minsi>, %select_n3A_364, %reduce_min3A_365 [0] : vector<9x2048xi32> to vector<2048xi32>
    %broadcast_in_dim3A_367 = vector.shape_cast %reduce_min3A_366 : vector<2048xi32> to vector<1x2048xi32>
    %eq3A_368 = vector.broadcast %broadcast_in_dim3A_367 : vector<1x2048xi32> to vector<9x2048xi32>
    %eq3A_369 = arith.cmpi eq, %iota3A, %eq3A_368 : vector<9x2048xi32>
    %jit3A_370 = arith.constant 0.000000e+00 : f32
    %broadcast_in_dim3A_371 = vector.broadcast %jit3A_370 : f32 to vector<9x2048xf32>
    %select_n3A_372 = arith.select %eq3A_369, %concatenate3A, %broadcast_in_dim3A_371 : vector<9x2048xi1>, vector<9x2048xf32>
    %reduce_sum3A_373 = arith.constant dense<0.000000e+00> : vector<2048xf32>
    %reduce_sum3A_374 = vector.multi_reduction <add>, %select_n3A_372, %reduce_sum3A_373 [0] : vector<9x2048xf32> to vector<2048xf32>
    %broadcast_in_dim3A_375 = vector.shape_cast %reduce_sum3A_374 : vector<2048xf32> to vector<1x2048xf32>
    %jit3A_376 = arith.constant 0.000000e+00 : f32
    %broadcast_in_dim3A_377 = vector.broadcast %jit3A_376 : f32 to vector<9x2048xf32>
    %select_n3A_378 = arith.select %eq3A_369, %concatenate3A_81, %broadcast_in_dim3A_377 : vector<9x2048xi1>, vector<9x2048xf32>
    %reduce_sum3A_379 = arith.constant dense<0.000000e+00> : vector<2048xf32>
    %reduce_sum3A_380 = vector.multi_reduction <add>, %select_n3A_378, %reduce_sum3A_379 [0] : vector<9x2048xf32> to vector<2048xf32>
    %broadcast_in_dim3A_381 = vector.shape_cast %reduce_sum3A_380 : vector<2048xf32> to vector<1x2048xf32>
    %jit3A_382 = arith.constant 0.000000e+00 : f32
    %broadcast_in_dim3A_383 = vector.broadcast %jit3A_382 : f32 to vector<9x2048xf32>
    %select_n3A_384 = arith.select %eq3A_369, %concatenate3A_82, %broadcast_in_dim3A_383 : vector<9x2048xi1>, vector<9x2048xf32>
    %reduce_sum3A_385 = arith.constant dense<0.000000e+00> : vector<2048xf32>
    %reduce_sum3A_386 = vector.multi_reduction <add>, %select_n3A_384, %reduce_sum3A_385 [0] : vector<9x2048xf32> to vector<2048xf32>
    %broadcast_in_dim3A_387 = vector.shape_cast %reduce_sum3A_386 : vector<2048xf32> to vector<1x2048xf32>
    %jit3A_388 = arith.constant 0x7F800000 : f32
    %broadcast_in_dim3A_389 = vector.broadcast %jit3A_388 : f32 to vector<9x2048xf32>
    %select_n3A_390 = arith.select %eq3A_369, %broadcast_in_dim3A_389, %select_n3A_356 : vector<9x2048xi1>, vector<9x2048xf32>
    %reduce_min3A_391 = arith.constant dense<0x7F800000> : vector<2048xf32>
    %reduce_min3A_392 = vector.multi_reduction <minimumf>, %select_n3A_390, %reduce_min3A_391 [0] : vector<9x2048xf32> to vector<2048xf32>
    %broadcast_in_dim3A_393 = vector.shape_cast %reduce_min3A_392 : vector<2048xf32> to vector<1x2048xf32>
    %eq3A_394 = vector.broadcast %broadcast_in_dim3A_393 : vector<1x2048xf32> to vector<9x2048xf32>
    %eq3A_395 = arith.cmpf oeq, %select_n3A_390, %eq3A_394 : vector<9x2048xf32>
    %jit3A_396 = arith.constant 9 : i32
    %broadcast_in_dim3A_397 = vector.broadcast %jit3A_396 : i32 to vector<9x2048xi32>
    %select_n3A_398 = arith.select %eq3A_395, %iota3A, %broadcast_in_dim3A_397 : vector<9x2048xi1>, vector<9x2048xi32>
    %reduce_min3A_399 = arith.constant dense<2147483647> : vector<2048xi32>
    %reduce_min3A_400 = vector.multi_reduction <minsi>, %select_n3A_398, %reduce_min3A_399 [0] : vector<9x2048xi32> to vector<2048xi32>
    %broadcast_in_dim3A_401 = vector.shape_cast %reduce_min3A_400 : vector<2048xi32> to vector<1x2048xi32>
    %eq3A_402 = vector.broadcast %broadcast_in_dim3A_401 : vector<1x2048xi32> to vector<9x2048xi32>
    %eq3A_403 = arith.cmpi eq, %iota3A, %eq3A_402 : vector<9x2048xi32>
    %jit3A_404 = arith.constant 0.000000e+00 : f32
    %broadcast_in_dim3A_405 = vector.broadcast %jit3A_404 : f32 to vector<9x2048xf32>
    %select_n3A_406 = arith.select %eq3A_403, %concatenate3A, %broadcast_in_dim3A_405 : vector<9x2048xi1>, vector<9x2048xf32>
    %reduce_sum3A_407 = arith.constant dense<0.000000e+00> : vector<2048xf32>
    %reduce_sum3A_408 = vector.multi_reduction <add>, %select_n3A_406, %reduce_sum3A_407 [0] : vector<9x2048xf32> to vector<2048xf32>
    %broadcast_in_dim3A_409 = vector.shape_cast %reduce_sum3A_408 : vector<2048xf32> to vector<1x2048xf32>
    %jit3A_410 = arith.constant 0.000000e+00 : f32
    %broadcast_in_dim3A_411 = vector.broadcast %jit3A_410 : f32 to vector<9x2048xf32>
    %select_n3A_412 = arith.select %eq3A_403, %concatenate3A_81, %broadcast_in_dim3A_411 : vector<9x2048xi1>, vector<9x2048xf32>
    %reduce_sum3A_413 = arith.constant dense<0.000000e+00> : vector<2048xf32>
    %reduce_sum3A_414 = vector.multi_reduction <add>, %select_n3A_412, %reduce_sum3A_413 [0] : vector<9x2048xf32> to vector<2048xf32>
    %broadcast_in_dim3A_415 = vector.shape_cast %reduce_sum3A_414 : vector<2048xf32> to vector<1x2048xf32>
    %jit3A_416 = arith.constant 0.000000e+00 : f32
    %broadcast_in_dim3A_417 = vector.broadcast %jit3A_416 : f32 to vector<9x2048xf32>
    %select_n3A_418 = arith.select %eq3A_403, %concatenate3A_82, %broadcast_in_dim3A_417 : vector<9x2048xi1>, vector<9x2048xf32>
    %reduce_sum3A_419 = arith.constant dense<0.000000e+00> : vector<2048xf32>
    %reduce_sum3A_420 = vector.multi_reduction <add>, %select_n3A_418, %reduce_sum3A_419 [0] : vector<9x2048xf32> to vector<2048xf32>
    %broadcast_in_dim3A_421 = vector.shape_cast %reduce_sum3A_420 : vector<2048xf32> to vector<1x2048xf32>
    %concatenate3A_422 = tpu.concatenate %broadcast_in_dim3A_137, %broadcast_in_dim3A_171, %broadcast_in_dim3A_205, %broadcast_in_dim3A_239, %broadcast_in_dim3A_273, %broadcast_in_dim3A_307, %broadcast_in_dim3A_341, %broadcast_in_dim3A_375, %broadcast_in_dim3A_409 in 0 : vector<1x2048xf32>, vector<1x2048xf32>, vector<1x2048xf32>, vector<1x2048xf32>, vector<1x2048xf32>, vector<1x2048xf32>, vector<1x2048xf32>, vector<1x2048xf32>, vector<1x2048xf32> -> vector<9x2048xf32>
    %concatenate3A_423 = tpu.concatenate %broadcast_in_dim3A_143, %broadcast_in_dim3A_177, %broadcast_in_dim3A_211, %broadcast_in_dim3A_245, %broadcast_in_dim3A_279, %broadcast_in_dim3A_313, %broadcast_in_dim3A_347, %broadcast_in_dim3A_381, %broadcast_in_dim3A_415 in 0 : vector<1x2048xf32>, vector<1x2048xf32>, vector<1x2048xf32>, vector<1x2048xf32>, vector<1x2048xf32>, vector<1x2048xf32>, vector<1x2048xf32>, vector<1x2048xf32>, vector<1x2048xf32> -> vector<9x2048xf32>
    %concatenate3A_424 = tpu.concatenate %broadcast_in_dim3A_149, %broadcast_in_dim3A_183, %broadcast_in_dim3A_217, %broadcast_in_dim3A_251, %broadcast_in_dim3A_285, %broadcast_in_dim3A_319, %broadcast_in_dim3A_353, %broadcast_in_dim3A_387, %broadcast_in_dim3A_421 in 0 : vector<1x2048xf32>, vector<1x2048xf32>, vector<1x2048xf32>, vector<1x2048xf32>, vector<1x2048xf32>, vector<1x2048xf32>, vector<1x2048xf32>, vector<1x2048xf32>, vector<1x2048xf32> -> vector<9x2048xf32>
    %slice3A_425 = vector.extract_strided_slice %concatenate3A_422 {offsets = [1, 0], sizes = [8, 2048], strides = [1, 1]} : vector<9x2048xf32> to vector<8x2048xf32>
    %slice3A_426 = vector.extract_strided_slice %concatenate3A_422 {offsets = [0, 0], sizes = [1, 2048], strides = [1, 1]} : vector<9x2048xf32> to vector<1x2048xf32>
    %concatenate3A_427 = tpu.concatenate %slice3A_425, %slice3A_426 in 0 : vector<8x2048xf32>, vector<1x2048xf32> -> vector<9x2048xf32>
    %slice3A_428 = vector.extract_strided_slice %concatenate3A_423 {offsets = [1, 0], sizes = [8, 2048], strides = [1, 1]} : vector<9x2048xf32> to vector<8x2048xf32>
    %slice3A_429 = vector.extract_strided_slice %concatenate3A_423 {offsets = [0, 0], sizes = [1, 2048], strides = [1, 1]} : vector<9x2048xf32> to vector<1x2048xf32>
    %concatenate3A_430 = tpu.concatenate %slice3A_428, %slice3A_429 in 0 : vector<8x2048xf32>, vector<1x2048xf32> -> vector<9x2048xf32>
    %slice3A_431 = vector.extract_strided_slice %concatenate3A_424 {offsets = [1, 0], sizes = [8, 2048], strides = [1, 1]} : vector<9x2048xf32> to vector<8x2048xf32>
    %slice3A_432 = vector.extract_strided_slice %concatenate3A_424 {offsets = [0, 0], sizes = [1, 2048], strides = [1, 1]} : vector<9x2048xf32> to vector<1x2048xf32>
    %concatenate3A_433 = tpu.concatenate %slice3A_431, %slice3A_432 in 0 : vector<8x2048xf32>, vector<1x2048xf32> -> vector<9x2048xf32>
    %mul3A_434 = arith.mulf %concatenate3A_423, %concatenate3A_433 : vector<9x2048xf32>
    %mul3A_435 = arith.mulf %concatenate3A_424, %concatenate3A_430 : vector<9x2048xf32>
    %sub3A_436 = arith.subf %mul3A_434, %mul3A_435 : vector<9x2048xf32>
    %mul3A_437 = arith.mulf %concatenate3A_424, %concatenate3A_427 : vector<9x2048xf32>
    %mul3A_438 = arith.mulf %concatenate3A_422, %concatenate3A_433 : vector<9x2048xf32>
    %sub3A_439 = arith.subf %mul3A_437, %mul3A_438 : vector<9x2048xf32>
    %mul3A_440 = arith.mulf %concatenate3A_422, %concatenate3A_430 : vector<9x2048xf32>
    %mul3A_441 = arith.mulf %concatenate3A_423, %concatenate3A_427 : vector<9x2048xf32>
    %sub3A_442 = arith.subf %mul3A_440, %mul3A_441 : vector<9x2048xf32>
    %mul3A_443 = arith.mulf %sub3A_436, %sub3A_436 : vector<9x2048xf32>
    %mul3A_444 = arith.mulf %sub3A_439, %sub3A_439 : vector<9x2048xf32>
    %add3A_445 = arith.addf %mul3A_443, %mul3A_444 : vector<9x2048xf32>
    %mul3A_446 = arith.mulf %sub3A_442, %sub3A_442 : vector<9x2048xf32>
    %add3A_447 = arith.addf %add3A_445, %mul3A_446 : vector<9x2048xf32>
    %sqrt3A = math.sqrt %add3A_447 : vector<9x2048xf32>
    %max3A_448 = arith.constant 9.99999996E-13 : f32
    %max3A_449 = vector.broadcast %max3A_448 : f32 to vector<9x2048xf32>
    %max3A_450 = arith.maximumf %sqrt3A, %max3A_449 : vector<9x2048xf32>
    %div3A_451 = arith.divf %sub3A_436, %max3A_450 : vector<9x2048xf32>
    %div3A_452 = arith.divf %sub3A_439, %max3A_450 : vector<9x2048xf32>
    %div3A_453 = arith.divf %sub3A_442, %max3A_450 : vector<9x2048xf32>
    %add3A_454 = arith.addf %concatenate3A_422, %concatenate3A_427 : vector<9x2048xf32>
    %div3A_455 = arith.constant 3.000000e+00 : f32
    %div3A_456 = vector.broadcast %div3A_455 : f32 to vector<9x2048xf32>
    %div3A_457 = arith.divf %add3A_454, %div3A_456 : vector<9x2048xf32>
    %add3A_458 = arith.addf %concatenate3A_423, %concatenate3A_430 : vector<9x2048xf32>
    %div3A_459 = arith.constant 3.000000e+00 : f32
    %div3A_460 = vector.broadcast %div3A_459 : f32 to vector<9x2048xf32>
    %div3A_461 = arith.divf %add3A_458, %div3A_460 : vector<9x2048xf32>
    %add3A_462 = arith.addf %concatenate3A_424, %concatenate3A_433 : vector<9x2048xf32>
    %div3A_463 = arith.constant 3.000000e+00 : f32
    %div3A_464 = vector.broadcast %div3A_463 : f32 to vector<9x2048xf32>
    %div3A_465 = arith.divf %add3A_462, %div3A_464 : vector<9x2048xf32>
    %mul3A_466 = arith.mulf %div3A_451, %div3A_457 : vector<9x2048xf32>
    %mul3A_467 = arith.mulf %div3A_452, %div3A_461 : vector<9x2048xf32>
    %add3A_468 = arith.addf %mul3A_466, %mul3A_467 : vector<9x2048xf32>
    %mul3A_469 = arith.mulf %div3A_453, %div3A_465 : vector<9x2048xf32>
    %add3A_470 = arith.addf %add3A_468, %mul3A_469 : vector<9x2048xf32>
    %mul3A_471 = arith.mulf %concatenate3A_422, %concatenate3A_422 : vector<9x2048xf32>
    %mul3A_472 = arith.mulf %concatenate3A_423, %concatenate3A_423 : vector<9x2048xf32>
    %add3A_473 = arith.addf %mul3A_471, %mul3A_472 : vector<9x2048xf32>
    %mul3A_474 = arith.mulf %concatenate3A_424, %concatenate3A_424 : vector<9x2048xf32>
    %add3A_475 = arith.addf %add3A_473, %mul3A_474 : vector<9x2048xf32>
    %sqrt3A_476 = math.sqrt %add3A_475 : vector<9x2048xf32>
    %sub3A_477 = arith.subf %concatenate3A_427, %concatenate3A_422 : vector<9x2048xf32>
    %sub3A_478 = arith.subf %concatenate3A_430, %concatenate3A_423 : vector<9x2048xf32>
    %sub3A_479 = arith.subf %concatenate3A_433, %concatenate3A_424 : vector<9x2048xf32>
    %mul3A_480 = arith.mulf %sub3A_477, %sub3A_477 : vector<9x2048xf32>
    %mul3A_481 = arith.mulf %sub3A_478, %sub3A_478 : vector<9x2048xf32>
    %add3A_482 = arith.addf %mul3A_480, %mul3A_481 : vector<9x2048xf32>
    %mul3A_483 = arith.mulf %sub3A_479, %sub3A_479 : vector<9x2048xf32>
    %add3A_484 = arith.addf %add3A_482, %mul3A_483 : vector<9x2048xf32>
    %sqrt3A_485 = math.sqrt %add3A_484 : vector<9x2048xf32>
    %mul3A_486 = arith.mulf %concatenate3A_427, %concatenate3A_427 : vector<9x2048xf32>
    %mul3A_487 = arith.mulf %concatenate3A_430, %concatenate3A_430 : vector<9x2048xf32>
    %add3A_488 = arith.addf %mul3A_486, %mul3A_487 : vector<9x2048xf32>
    %mul3A_489 = arith.mulf %concatenate3A_433, %concatenate3A_433 : vector<9x2048xf32>
    %add3A_490 = arith.addf %add3A_488, %mul3A_489 : vector<9x2048xf32>
    %sqrt3A_491 = math.sqrt %add3A_490 : vector<9x2048xf32>
    %mul3A_492 = arith.constant 5.000000e-01 : f32
    %mul3A_493 = vector.broadcast %mul3A_492 : f32 to vector<9x2048xf32>
    %mul3A_494 = arith.mulf %mul3A_493, %sqrt3A : vector<9x2048xf32>
    %slice3A_495 = vector.extract_strided_slice %div3A_451 {offsets = [0, 0], sizes = [1, 2048], strides = [1, 1]} : vector<9x2048xf32> to vector<1x2048xf32>
    %slice3A_496 = vector.extract_strided_slice %div3A_452 {offsets = [0, 0], sizes = [1, 2048], strides = [1, 1]} : vector<9x2048xf32> to vector<1x2048xf32>
    %slice3A_497 = vector.extract_strided_slice %div3A_453 {offsets = [0, 0], sizes = [1, 2048], strides = [1, 1]} : vector<9x2048xf32> to vector<1x2048xf32>
    %slice3A_498 = vector.extract_strided_slice %add3A_470 {offsets = [0, 0], sizes = [1, 2048], strides = [1, 1]} : vector<9x2048xf32> to vector<1x2048xf32>
    %slice3A_499 = vector.extract_strided_slice %div3A_457 {offsets = [0, 0], sizes = [1, 2048], strides = [1, 1]} : vector<9x2048xf32> to vector<1x2048xf32>
    %slice3A_500 = vector.extract_strided_slice %div3A_461 {offsets = [0, 0], sizes = [1, 2048], strides = [1, 1]} : vector<9x2048xf32> to vector<1x2048xf32>
    %slice3A_501 = vector.extract_strided_slice %div3A_465 {offsets = [0, 0], sizes = [1, 2048], strides = [1, 1]} : vector<9x2048xf32> to vector<1x2048xf32>
    %slice3A_502 = vector.extract_strided_slice %sqrt3A_476 {offsets = [0, 0], sizes = [1, 2048], strides = [1, 1]} : vector<9x2048xf32> to vector<1x2048xf32>
    %slice3A_503 = vector.extract_strided_slice %sqrt3A_485 {offsets = [0, 0], sizes = [1, 2048], strides = [1, 1]} : vector<9x2048xf32> to vector<1x2048xf32>
    %slice3A_504 = vector.extract_strided_slice %sqrt3A_491 {offsets = [0, 0], sizes = [1, 2048], strides = [1, 1]} : vector<9x2048xf32> to vector<1x2048xf32>
    %slice3A_505 = vector.extract_strided_slice %mul3A_494 {offsets = [0, 0], sizes = [1, 2048], strides = [1, 1]} : vector<9x2048xf32> to vector<1x2048xf32>
    %slice3A_506 = vector.extract_strided_slice %div3A_451 {offsets = [1, 0], sizes = [1, 2048], strides = [1, 1]} : vector<9x2048xf32> to vector<1x2048xf32>
    %slice3A_507 = vector.extract_strided_slice %div3A_452 {offsets = [1, 0], sizes = [1, 2048], strides = [1, 1]} : vector<9x2048xf32> to vector<1x2048xf32>
    %slice3A_508 = vector.extract_strided_slice %div3A_453 {offsets = [1, 0], sizes = [1, 2048], strides = [1, 1]} : vector<9x2048xf32> to vector<1x2048xf32>
    %slice3A_509 = vector.extract_strided_slice %add3A_470 {offsets = [1, 0], sizes = [1, 2048], strides = [1, 1]} : vector<9x2048xf32> to vector<1x2048xf32>
    %slice3A_510 = vector.extract_strided_slice %div3A_457 {offsets = [1, 0], sizes = [1, 2048], strides = [1, 1]} : vector<9x2048xf32> to vector<1x2048xf32>
    %slice3A_511 = vector.extract_strided_slice %div3A_461 {offsets = [1, 0], sizes = [1, 2048], strides = [1, 1]} : vector<9x2048xf32> to vector<1x2048xf32>
    %slice3A_512 = vector.extract_strided_slice %div3A_465 {offsets = [1, 0], sizes = [1, 2048], strides = [1, 1]} : vector<9x2048xf32> to vector<1x2048xf32>
    %slice3A_513 = vector.extract_strided_slice %sqrt3A_476 {offsets = [1, 0], sizes = [1, 2048], strides = [1, 1]} : vector<9x2048xf32> to vector<1x2048xf32>
    %slice3A_514 = vector.extract_strided_slice %sqrt3A_485 {offsets = [1, 0], sizes = [1, 2048], strides = [1, 1]} : vector<9x2048xf32> to vector<1x2048xf32>
    %slice3A_515 = vector.extract_strided_slice %sqrt3A_491 {offsets = [1, 0], sizes = [1, 2048], strides = [1, 1]} : vector<9x2048xf32> to vector<1x2048xf32>
    %slice3A_516 = vector.extract_strided_slice %mul3A_494 {offsets = [1, 0], sizes = [1, 2048], strides = [1, 1]} : vector<9x2048xf32> to vector<1x2048xf32>
    %slice3A_517 = vector.extract_strided_slice %div3A_451 {offsets = [2, 0], sizes = [1, 2048], strides = [1, 1]} : vector<9x2048xf32> to vector<1x2048xf32>
    %slice3A_518 = vector.extract_strided_slice %div3A_452 {offsets = [2, 0], sizes = [1, 2048], strides = [1, 1]} : vector<9x2048xf32> to vector<1x2048xf32>
    %slice3A_519 = vector.extract_strided_slice %div3A_453 {offsets = [2, 0], sizes = [1, 2048], strides = [1, 1]} : vector<9x2048xf32> to vector<1x2048xf32>
    %slice3A_520 = vector.extract_strided_slice %add3A_470 {offsets = [2, 0], sizes = [1, 2048], strides = [1, 1]} : vector<9x2048xf32> to vector<1x2048xf32>
    %slice3A_521 = vector.extract_strided_slice %div3A_457 {offsets = [2, 0], sizes = [1, 2048], strides = [1, 1]} : vector<9x2048xf32> to vector<1x2048xf32>
    %slice3A_522 = vector.extract_strided_slice %div3A_461 {offsets = [2, 0], sizes = [1, 2048], strides = [1, 1]} : vector<9x2048xf32> to vector<1x2048xf32>
    %slice3A_523 = vector.extract_strided_slice %div3A_465 {offsets = [2, 0], sizes = [1, 2048], strides = [1, 1]} : vector<9x2048xf32> to vector<1x2048xf32>
    %slice3A_524 = vector.extract_strided_slice %sqrt3A_476 {offsets = [2, 0], sizes = [1, 2048], strides = [1, 1]} : vector<9x2048xf32> to vector<1x2048xf32>
    %slice3A_525 = vector.extract_strided_slice %sqrt3A_485 {offsets = [2, 0], sizes = [1, 2048], strides = [1, 1]} : vector<9x2048xf32> to vector<1x2048xf32>
    %slice3A_526 = vector.extract_strided_slice %sqrt3A_491 {offsets = [2, 0], sizes = [1, 2048], strides = [1, 1]} : vector<9x2048xf32> to vector<1x2048xf32>
    %slice3A_527 = vector.extract_strided_slice %mul3A_494 {offsets = [2, 0], sizes = [1, 2048], strides = [1, 1]} : vector<9x2048xf32> to vector<1x2048xf32>
    %slice3A_528 = vector.extract_strided_slice %div3A_451 {offsets = [3, 0], sizes = [1, 2048], strides = [1, 1]} : vector<9x2048xf32> to vector<1x2048xf32>
    %slice3A_529 = vector.extract_strided_slice %div3A_452 {offsets = [3, 0], sizes = [1, 2048], strides = [1, 1]} : vector<9x2048xf32> to vector<1x2048xf32>
    %slice3A_530 = vector.extract_strided_slice %div3A_453 {offsets = [3, 0], sizes = [1, 2048], strides = [1, 1]} : vector<9x2048xf32> to vector<1x2048xf32>
    %slice3A_531 = vector.extract_strided_slice %add3A_470 {offsets = [3, 0], sizes = [1, 2048], strides = [1, 1]} : vector<9x2048xf32> to vector<1x2048xf32>
    %slice3A_532 = vector.extract_strided_slice %div3A_457 {offsets = [3, 0], sizes = [1, 2048], strides = [1, 1]} : vector<9x2048xf32> to vector<1x2048xf32>
    %slice3A_533 = vector.extract_strided_slice %div3A_461 {offsets = [3, 0], sizes = [1, 2048], strides = [1, 1]} : vector<9x2048xf32> to vector<1x2048xf32>
    %slice3A_534 = vector.extract_strided_slice %div3A_465 {offsets = [3, 0], sizes = [1, 2048], strides = [1, 1]} : vector<9x2048xf32> to vector<1x2048xf32>
    %slice3A_535 = vector.extract_strided_slice %sqrt3A_476 {offsets = [3, 0], sizes = [1, 2048], strides = [1, 1]} : vector<9x2048xf32> to vector<1x2048xf32>
    %slice3A_536 = vector.extract_strided_slice %sqrt3A_485 {offsets = [3, 0], sizes = [1, 2048], strides = [1, 1]} : vector<9x2048xf32> to vector<1x2048xf32>
    %slice3A_537 = vector.extract_strided_slice %sqrt3A_491 {offsets = [3, 0], sizes = [1, 2048], strides = [1, 1]} : vector<9x2048xf32> to vector<1x2048xf32>
    %slice3A_538 = vector.extract_strided_slice %mul3A_494 {offsets = [3, 0], sizes = [1, 2048], strides = [1, 1]} : vector<9x2048xf32> to vector<1x2048xf32>
    %slice3A_539 = vector.extract_strided_slice %div3A_451 {offsets = [4, 0], sizes = [1, 2048], strides = [1, 1]} : vector<9x2048xf32> to vector<1x2048xf32>
    %slice3A_540 = vector.extract_strided_slice %div3A_452 {offsets = [4, 0], sizes = [1, 2048], strides = [1, 1]} : vector<9x2048xf32> to vector<1x2048xf32>
    %slice3A_541 = vector.extract_strided_slice %div3A_453 {offsets = [4, 0], sizes = [1, 2048], strides = [1, 1]} : vector<9x2048xf32> to vector<1x2048xf32>
    %slice3A_542 = vector.extract_strided_slice %add3A_470 {offsets = [4, 0], sizes = [1, 2048], strides = [1, 1]} : vector<9x2048xf32> to vector<1x2048xf32>
    %slice3A_543 = vector.extract_strided_slice %div3A_457 {offsets = [4, 0], sizes = [1, 2048], strides = [1, 1]} : vector<9x2048xf32> to vector<1x2048xf32>
    %slice3A_544 = vector.extract_strided_slice %div3A_461 {offsets = [4, 0], sizes = [1, 2048], strides = [1, 1]} : vector<9x2048xf32> to vector<1x2048xf32>
    %slice3A_545 = vector.extract_strided_slice %div3A_465 {offsets = [4, 0], sizes = [1, 2048], strides = [1, 1]} : vector<9x2048xf32> to vector<1x2048xf32>
    %slice3A_546 = vector.extract_strided_slice %sqrt3A_476 {offsets = [4, 0], sizes = [1, 2048], strides = [1, 1]} : vector<9x2048xf32> to vector<1x2048xf32>
    %slice3A_547 = vector.extract_strided_slice %sqrt3A_485 {offsets = [4, 0], sizes = [1, 2048], strides = [1, 1]} : vector<9x2048xf32> to vector<1x2048xf32>
    %slice3A_548 = vector.extract_strided_slice %sqrt3A_491 {offsets = [4, 0], sizes = [1, 2048], strides = [1, 1]} : vector<9x2048xf32> to vector<1x2048xf32>
    %slice3A_549 = vector.extract_strided_slice %mul3A_494 {offsets = [4, 0], sizes = [1, 2048], strides = [1, 1]} : vector<9x2048xf32> to vector<1x2048xf32>
    %slice3A_550 = vector.extract_strided_slice %div3A_451 {offsets = [5, 0], sizes = [1, 2048], strides = [1, 1]} : vector<9x2048xf32> to vector<1x2048xf32>
    %slice3A_551 = vector.extract_strided_slice %div3A_452 {offsets = [5, 0], sizes = [1, 2048], strides = [1, 1]} : vector<9x2048xf32> to vector<1x2048xf32>
    %slice3A_552 = vector.extract_strided_slice %div3A_453 {offsets = [5, 0], sizes = [1, 2048], strides = [1, 1]} : vector<9x2048xf32> to vector<1x2048xf32>
    %slice3A_553 = vector.extract_strided_slice %add3A_470 {offsets = [5, 0], sizes = [1, 2048], strides = [1, 1]} : vector<9x2048xf32> to vector<1x2048xf32>
    %slice3A_554 = vector.extract_strided_slice %div3A_457 {offsets = [5, 0], sizes = [1, 2048], strides = [1, 1]} : vector<9x2048xf32> to vector<1x2048xf32>
    %slice3A_555 = vector.extract_strided_slice %div3A_461 {offsets = [5, 0], sizes = [1, 2048], strides = [1, 1]} : vector<9x2048xf32> to vector<1x2048xf32>
    %slice3A_556 = vector.extract_strided_slice %div3A_465 {offsets = [5, 0], sizes = [1, 2048], strides = [1, 1]} : vector<9x2048xf32> to vector<1x2048xf32>
    %slice3A_557 = vector.extract_strided_slice %sqrt3A_476 {offsets = [5, 0], sizes = [1, 2048], strides = [1, 1]} : vector<9x2048xf32> to vector<1x2048xf32>
    %slice3A_558 = vector.extract_strided_slice %sqrt3A_485 {offsets = [5, 0], sizes = [1, 2048], strides = [1, 1]} : vector<9x2048xf32> to vector<1x2048xf32>
    %slice3A_559 = vector.extract_strided_slice %sqrt3A_491 {offsets = [5, 0], sizes = [1, 2048], strides = [1, 1]} : vector<9x2048xf32> to vector<1x2048xf32>
    %slice3A_560 = vector.extract_strided_slice %mul3A_494 {offsets = [5, 0], sizes = [1, 2048], strides = [1, 1]} : vector<9x2048xf32> to vector<1x2048xf32>
    %slice3A_561 = vector.extract_strided_slice %div3A_451 {offsets = [6, 0], sizes = [1, 2048], strides = [1, 1]} : vector<9x2048xf32> to vector<1x2048xf32>
    %slice3A_562 = vector.extract_strided_slice %div3A_452 {offsets = [6, 0], sizes = [1, 2048], strides = [1, 1]} : vector<9x2048xf32> to vector<1x2048xf32>
    %slice3A_563 = vector.extract_strided_slice %div3A_453 {offsets = [6, 0], sizes = [1, 2048], strides = [1, 1]} : vector<9x2048xf32> to vector<1x2048xf32>
    %slice3A_564 = vector.extract_strided_slice %add3A_470 {offsets = [6, 0], sizes = [1, 2048], strides = [1, 1]} : vector<9x2048xf32> to vector<1x2048xf32>
    %slice3A_565 = vector.extract_strided_slice %div3A_457 {offsets = [6, 0], sizes = [1, 2048], strides = [1, 1]} : vector<9x2048xf32> to vector<1x2048xf32>
    %slice3A_566 = vector.extract_strided_slice %div3A_461 {offsets = [6, 0], sizes = [1, 2048], strides = [1, 1]} : vector<9x2048xf32> to vector<1x2048xf32>
    %slice3A_567 = vector.extract_strided_slice %div3A_465 {offsets = [6, 0], sizes = [1, 2048], strides = [1, 1]} : vector<9x2048xf32> to vector<1x2048xf32>
    %slice3A_568 = vector.extract_strided_slice %sqrt3A_476 {offsets = [6, 0], sizes = [1, 2048], strides = [1, 1]} : vector<9x2048xf32> to vector<1x2048xf32>
    %slice3A_569 = vector.extract_strided_slice %sqrt3A_485 {offsets = [6, 0], sizes = [1, 2048], strides = [1, 1]} : vector<9x2048xf32> to vector<1x2048xf32>
    %slice3A_570 = vector.extract_strided_slice %sqrt3A_491 {offsets = [6, 0], sizes = [1, 2048], strides = [1, 1]} : vector<9x2048xf32> to vector<1x2048xf32>
    %slice3A_571 = vector.extract_strided_slice %mul3A_494 {offsets = [6, 0], sizes = [1, 2048], strides = [1, 1]} : vector<9x2048xf32> to vector<1x2048xf32>
    %slice3A_572 = vector.extract_strided_slice %div3A_451 {offsets = [7, 0], sizes = [1, 2048], strides = [1, 1]} : vector<9x2048xf32> to vector<1x2048xf32>
    %slice3A_573 = vector.extract_strided_slice %div3A_452 {offsets = [7, 0], sizes = [1, 2048], strides = [1, 1]} : vector<9x2048xf32> to vector<1x2048xf32>
    %slice3A_574 = vector.extract_strided_slice %div3A_453 {offsets = [7, 0], sizes = [1, 2048], strides = [1, 1]} : vector<9x2048xf32> to vector<1x2048xf32>
    %slice3A_575 = vector.extract_strided_slice %add3A_470 {offsets = [7, 0], sizes = [1, 2048], strides = [1, 1]} : vector<9x2048xf32> to vector<1x2048xf32>
    %slice3A_576 = vector.extract_strided_slice %div3A_457 {offsets = [7, 0], sizes = [1, 2048], strides = [1, 1]} : vector<9x2048xf32> to vector<1x2048xf32>
    %slice3A_577 = vector.extract_strided_slice %div3A_461 {offsets = [7, 0], sizes = [1, 2048], strides = [1, 1]} : vector<9x2048xf32> to vector<1x2048xf32>
    %slice3A_578 = vector.extract_strided_slice %div3A_465 {offsets = [7, 0], sizes = [1, 2048], strides = [1, 1]} : vector<9x2048xf32> to vector<1x2048xf32>
    %slice3A_579 = vector.extract_strided_slice %sqrt3A_476 {offsets = [7, 0], sizes = [1, 2048], strides = [1, 1]} : vector<9x2048xf32> to vector<1x2048xf32>
    %slice3A_580 = vector.extract_strided_slice %sqrt3A_485 {offsets = [7, 0], sizes = [1, 2048], strides = [1, 1]} : vector<9x2048xf32> to vector<1x2048xf32>
    %slice3A_581 = vector.extract_strided_slice %sqrt3A_491 {offsets = [7, 0], sizes = [1, 2048], strides = [1, 1]} : vector<9x2048xf32> to vector<1x2048xf32>
    %slice3A_582 = vector.extract_strided_slice %mul3A_494 {offsets = [7, 0], sizes = [1, 2048], strides = [1, 1]} : vector<9x2048xf32> to vector<1x2048xf32>
    %slice3A_583 = vector.extract_strided_slice %div3A_451 {offsets = [8, 0], sizes = [1, 2048], strides = [1, 1]} : vector<9x2048xf32> to vector<1x2048xf32>
    %slice3A_584 = vector.extract_strided_slice %div3A_452 {offsets = [8, 0], sizes = [1, 2048], strides = [1, 1]} : vector<9x2048xf32> to vector<1x2048xf32>
    %slice3A_585 = vector.extract_strided_slice %div3A_453 {offsets = [8, 0], sizes = [1, 2048], strides = [1, 1]} : vector<9x2048xf32> to vector<1x2048xf32>
    %slice3A_586 = vector.extract_strided_slice %add3A_470 {offsets = [8, 0], sizes = [1, 2048], strides = [1, 1]} : vector<9x2048xf32> to vector<1x2048xf32>
    %slice3A_587 = vector.extract_strided_slice %div3A_457 {offsets = [8, 0], sizes = [1, 2048], strides = [1, 1]} : vector<9x2048xf32> to vector<1x2048xf32>
    %slice3A_588 = vector.extract_strided_slice %div3A_461 {offsets = [8, 0], sizes = [1, 2048], strides = [1, 1]} : vector<9x2048xf32> to vector<1x2048xf32>
    %slice3A_589 = vector.extract_strided_slice %div3A_465 {offsets = [8, 0], sizes = [1, 2048], strides = [1, 1]} : vector<9x2048xf32> to vector<1x2048xf32>
    %slice3A_590 = vector.extract_strided_slice %sqrt3A_476 {offsets = [8, 0], sizes = [1, 2048], strides = [1, 1]} : vector<9x2048xf32> to vector<1x2048xf32>
    %slice3A_591 = vector.extract_strided_slice %sqrt3A_485 {offsets = [8, 0], sizes = [1, 2048], strides = [1, 1]} : vector<9x2048xf32> to vector<1x2048xf32>
    %slice3A_592 = vector.extract_strided_slice %sqrt3A_491 {offsets = [8, 0], sizes = [1, 2048], strides = [1, 1]} : vector<9x2048xf32> to vector<1x2048xf32>
    %slice3A_593 = vector.extract_strided_slice %mul3A_494 {offsets = [8, 0], sizes = [1, 2048], strides = [1, 1]} : vector<9x2048xf32> to vector<1x2048xf32>
    %broadcast_in_dim3A_594 = arith.constant 0.000000e+00 : f32
    %broadcast_in_dim3A_595 = vector.broadcast %broadcast_in_dim3A_594 : f32 to vector<5x2048xf32>
    %concatenate3A_596 = tpu.concatenate %slice3A_495, %slice3A_496, %slice3A_497, %slice3A_498, %slice3A_499, %slice3A_500, %slice3A_501, %slice3A_502, %slice3A_503, %slice3A_504, %slice3A_505, %slice3A_506, %slice3A_507, %slice3A_508, %slice3A_509, %slice3A_510, %slice3A_511, %slice3A_512, %slice3A_513, %slice3A_514, %slice3A_515, %slice3A_516, %slice3A_517, %slice3A_518, %slice3A_519, %slice3A_520, %slice3A_521, %slice3A_522, %slice3A_523, %slice3A_524, %slice3A_525, %slice3A_526, %slice3A_527, %slice3A_528, %slice3A_529, %slice3A_530, %slice3A_531, %slice3A_532, %slice3A_533, %slice3A_534, %slice3A_535, %slice3A_536, %slice3A_537, %slice3A_538, %slice3A_539, %slice3A_540, %slice3A_541, %slice3A_542, %slice3A_543, %slice3A_544, %slice3A_545, %slice3A_546, %slice3A_547, %slice3A_548, %slice3A_549, %slice3A_550, %slice3A_551, %slice3A_552, %slice3A_553, %slice3A_554, %slice3A_555, %slice3A_556, %slice3A_557, %slice3A_558, %slice3A_559, %slice3A_560, %slice3A_561, %slice3A_562, %slice3A_563, %slice3A_564, %slice3A_565, %slice3A_566, %slice3A_567, %slice3A_568, %slice3A_569, %slice3A_570, %slice3A_571, %slice3A_572, %slice3A_573, %slice3A_574, %slice3A_575, %slice3A_576, %slice3A_577, %slice3A_578, %slice3A_579, %slice3A_580, %slice3A_581, %slice3A_582, %slice3A_583, %slice3A_584, %slice3A_585, %slice3A_586, %slice3A_587, %slice3A_588, %slice3A_589, %slice3A_590, %slice3A_591, %slice3A_592, %slice3A_593, %broadcast_in_dim3A_595 in 0 : vector<1x2048xf32>, vector<1x2048xf32>, vector<1x2048xf32>, vector<1x2048xf32>, vector<1x2048xf32>, vector<1x2048xf32>, vector<1x2048xf32>, vector<1x2048xf32>, vector<1x2048xf32>, vector<1x2048xf32>, vector<1x2048xf32>, vector<1x2048xf32>, vector<1x2048xf32>, vector<1x2048xf32>, vector<1x2048xf32>, vector<1x2048xf32>, vector<1x2048xf32>, vector<1x2048xf32>, vector<1x2048xf32>, vector<1x2048xf32>, vector<1x2048xf32>, vector<1x2048xf32>, vector<1x2048xf32>, vector<1x2048xf32>, vector<1x2048xf32>, vector<1x2048xf32>, vector<1x2048xf32>, vector<1x2048xf32>, vector<1x2048xf32>, vector<1x2048xf32>, vector<1x2048xf32>, vector<1x2048xf32>, vector<1x2048xf32>, vector<1x2048xf32>, vector<1x2048xf32>, vector<1x2048xf32>, vector<1x2048xf32>, vector<1x2048xf32>, vector<1x2048xf32>, vector<1x2048xf32>, vector<1x2048xf32>, vector<1x2048xf32>, vector<1x2048xf32>, vector<1x2048xf32>, vector<1x2048xf32>, vector<1x2048xf32>, vector<1x2048xf32>, vector<1x2048xf32>, vector<1x2048xf32>, vector<1x2048xf32>, vector<1x2048xf32>, vector<1x2048xf32>, vector<1x2048xf32>, vector<1x2048xf32>, vector<1x2048xf32>, vector<1x2048xf32>, vector<1x2048xf32>, vector<1x2048xf32>, vector<1x2048xf32>, vector<1x2048xf32>, vector<1x2048xf32>, vector<1x2048xf32>, vector<1x2048xf32>, vector<1x2048xf32>, vector<1x2048xf32>, vector<1x2048xf32>, vector<1x2048xf32>, vector<1x2048xf32>, vector<1x2048xf32>, vector<1x2048xf32>, vector<1x2048xf32>, vector<1x2048xf32>, vector<1x2048xf32>, vector<1x2048xf32>, vector<1x2048xf32>, vector<1x2048xf32>, vector<1x2048xf32>, vector<1x2048xf32>, vector<1x2048xf32>, vector<1x2048xf32>, vector<1x2048xf32>, vector<1x2048xf32>, vector<1x2048xf32>, vector<1x2048xf32>, vector<1x2048xf32>, vector<1x2048xf32>, vector<1x2048xf32>, vector<1x2048xf32>, vector<1x2048xf32>, vector<1x2048xf32>, vector<1x2048xf32>, vector<1x2048xf32>, vector<1x2048xf32>, vector<1x2048xf32>, vector<1x2048xf32>, vector<1x2048xf32>, vector<1x2048xf32>, vector<1x2048xf32>, vector<1x2048xf32>, vector<5x2048xf32> -> vector<104x2048xf32>
    %swap3A = arith.constant 0 : index
    %swap3A_597 = arith.constant 0 : index
    %swap3A_598 = vector.load %arg4[%swap3A, %swap3A_597] : memref<104x2048xf32, #tpu.memory_space<vmem>>, vector<104x2048xf32>
    tpu.vector_store %arg4[%swap3A, %swap3A_597], %concatenate3A_596 {strides = array<i32>} : memref<104x2048xf32, #tpu.memory_space<vmem>>, vector<104x2048xf32>,
    %get3A_599 = arith.constant 0 : index
    %get3A_600 = arith.constant 0 : index
    %get3A_601 = vector.load %arg2[%get3A_599, %get3A_600] : memref<64x11xf32, #tpu.memory_space<vmem>>, vector<64x11xf32>
    %convert_element_type3A_602 = arith.truncf %get3A_601 : vector<64x11xf32> to vector<64x11xbf16>
    %get3A_603 = arith.constant 0 : index
    %get3A_604 = arith.constant 0 : index
    %get3A_605 = vector.load %arg3[%get3A_603, %get3A_604] : memref<64x1xf32, #tpu.memory_space<vmem>>, vector<64x1xf32>
    %broadcast_in_dim3A_606 = arith.constant 0.000000e+00 : f32
    %broadcast_in_dim3A_607 = vector.broadcast %broadcast_in_dim3A_606 : f32 to vector<64x1xf32>
    %broadcast_in_dim3A_608 = arith.constant 0.000000e+00 : f32
    %broadcast_in_dim3A_609 = vector.broadcast %broadcast_in_dim3A_608 : f32 to vector<64x1xf32>
    %slice3A_610 = vector.extract_strided_slice %concatenate3A_596 {offsets = [0, 0], sizes = [11, 2048], strides = [1, 1]} : vector<104x2048xf32> to vector<11x2048xf32>
    %convert_element_type3A_611 = arith.truncf %slice3A_610 : vector<11x2048xf32> to vector<11x2048xbf16>
    %dot_general3A = arith.constant dense<0.000000e+00> : vector<64x2048xf32>
    %dot_general3A_612 = tpu.matmul %convert_element_type3A_602, %convert_element_type3A_611, %dot_general3A {dimension_numbers = #tpu.dot_dimension_numbers<[1], [0], [0], [1], [0, 0, 1, 1], [], []>, transpose_lhs_hint = false} : vector<64x11xbf16>, vector<11x2048xbf16>, vector<64x2048xf32> -> vector<64x2048xf32>
    %add3A_613 = vector.broadcast %get3A_605 : vector<64x1xf32> to vector<64x2048xf32>
    %add3A_614 = arith.addf %dot_general3A_612, %add3A_613 : vector<64x2048xf32>
    %reduce_sum3A_615 = arith.constant dense<0.000000e+00> : vector<64xf32>
    %reduce_sum3A_616 = vector.multi_reduction <add>, %add3A_614, %reduce_sum3A_615 [1] : vector<64x2048xf32> to vector<64xf32>
    %broadcast_in_dim3A_617 = vector.shape_cast %reduce_sum3A_616 : vector<64xf32> to vector<64x1xf32>
    %add3A_618 = arith.addf %broadcast_in_dim3A_607, %broadcast_in_dim3A_617 : vector<64x1xf32>
    %mul3A_619 = arith.mulf %add3A_614, %add3A_614 : vector<64x2048xf32>
    %reduce_sum3A_620 = arith.constant dense<0.000000e+00> : vector<64xf32>
    %reduce_sum3A_621 = vector.multi_reduction <add>, %mul3A_619, %reduce_sum3A_620 [1] : vector<64x2048xf32> to vector<64xf32>
    %broadcast_in_dim3A_622 = vector.shape_cast %reduce_sum3A_621 : vector<64xf32> to vector<64x1xf32>
    %add3A_623 = arith.addf %broadcast_in_dim3A_609, %broadcast_in_dim3A_622 : vector<64x1xf32>
    %slice3A_624 = vector.extract_strided_slice %concatenate3A_596 {offsets = [11, 0], sizes = [11, 2048], strides = [1, 1]} : vector<104x2048xf32> to vector<11x2048xf32>
    %convert_element_type3A_625 = arith.truncf %slice3A_624 : vector<11x2048xf32> to vector<11x2048xbf16>
    %dot_general3A_626 = arith.constant dense<0.000000e+00> : vector<64x2048xf32>
    %dot_general3A_627 = tpu.matmul %convert_element_type3A_602, %convert_element_type3A_625, %dot_general3A_626 {dimension_numbers = #tpu.dot_dimension_numbers<[1], [0], [0], [1], [0, 0, 1, 1], [], []>, transpose_lhs_hint = false} : vector<64x11xbf16>, vector<11x2048xbf16>, vector<64x2048xf32> -> vector<64x2048xf32>
    %add3A_628 = vector.broadcast %get3A_605 : vector<64x1xf32> to vector<64x2048xf32>
    %add3A_629 = arith.addf %dot_general3A_627, %add3A_628 : vector<64x2048xf32>
    %reduce_sum3A_630 = arith.constant dense<0.000000e+00> : vector<64xf32>
    %reduce_sum3A_631 = vector.multi_reduction <add>, %add3A_629, %reduce_sum3A_630 [1] : vector<64x2048xf32> to vector<64xf32>
    %broadcast_in_dim3A_632 = vector.shape_cast %reduce_sum3A_631 : vector<64xf32> to vector<64x1xf32>
    %add3A_633 = arith.addf %add3A_618, %broadcast_in_dim3A_632 : vector<64x1xf32>
    %mul3A_634 = arith.mulf %add3A_629, %add3A_629 : vector<64x2048xf32>
    %reduce_sum3A_635 = arith.constant dense<0.000000e+00> : vector<64xf32>
    %reduce_sum3A_636 = vector.multi_reduction <add>, %mul3A_634, %reduce_sum3A_635 [1] : vector<64x2048xf32> to vector<64xf32>
    %broadcast_in_dim3A_637 = vector.shape_cast %reduce_sum3A_636 : vector<64xf32> to vector<64x1xf32>
    %add3A_638 = arith.addf %add3A_623, %broadcast_in_dim3A_637 : vector<64x1xf32>
    %slice3A_639 = vector.extract_strided_slice %concatenate3A_596 {offsets = [22, 0], sizes = [11, 2048], strides = [1, 1]} : vector<104x2048xf32> to vector<11x2048xf32>
    %convert_element_type3A_640 = arith.truncf %slice3A_639 : vector<11x2048xf32> to vector<11x2048xbf16>
    %dot_general3A_641 = arith.constant dense<0.000000e+00> : vector<64x2048xf32>
    %dot_general3A_642 = tpu.matmul %convert_element_type3A_602, %convert_element_type3A_640, %dot_general3A_641 {dimension_numbers = #tpu.dot_dimension_numbers<[1], [0], [0], [1], [0, 0, 1, 1], [], []>, transpose_lhs_hint = false} : vector<64x11xbf16>, vector<11x2048xbf16>, vector<64x2048xf32> -> vector<64x2048xf32>
    %add3A_643 = vector.broadcast %get3A_605 : vector<64x1xf32> to vector<64x2048xf32>
    %add3A_644 = arith.addf %dot_general3A_642, %add3A_643 : vector<64x2048xf32>
    %reduce_sum3A_645 = arith.constant dense<0.000000e+00> : vector<64xf32>
    %reduce_sum3A_646 = vector.multi_reduction <add>, %add3A_644, %reduce_sum3A_645 [1] : vector<64x2048xf32> to vector<64xf32>
    %broadcast_in_dim3A_647 = vector.shape_cast %reduce_sum3A_646 : vector<64xf32> to vector<64x1xf32>
    %add3A_648 = arith.addf %add3A_633, %broadcast_in_dim3A_647 : vector<64x1xf32>
    %mul3A_649 = arith.mulf %add3A_644, %add3A_644 : vector<64x2048xf32>
    %reduce_sum3A_650 = arith.constant dense<0.000000e+00> : vector<64xf32>
    %reduce_sum3A_651 = vector.multi_reduction <add>, %mul3A_649, %reduce_sum3A_650 [1] : vector<64x2048xf32> to vector<64xf32>
    %broadcast_in_dim3A_652 = vector.shape_cast %reduce_sum3A_651 : vector<64xf32> to vector<64x1xf32>
    %add3A_653 = arith.addf %add3A_638, %broadcast_in_dim3A_652 : vector<64x1xf32>
    %slice3A_654 = vector.extract_strided_slice %concatenate3A_596 {offsets = [33, 0], sizes = [11, 2048], strides = [1, 1]} : vector<104x2048xf32> to vector<11x2048xf32>
    %convert_element_type3A_655 = arith.truncf %slice3A_654 : vector<11x2048xf32> to vector<11x2048xbf16>
    %dot_general3A_656 = arith.constant dense<0.000000e+00> : vector<64x2048xf32>
    %dot_general3A_657 = tpu.matmul %convert_element_type3A_602, %convert_element_type3A_655, %dot_general3A_656 {dimension_numbers = #tpu.dot_dimension_numbers<[1], [0], [0], [1], [0, 0, 1, 1], [], []>, transpose_lhs_hint = false} : vector<64x11xbf16>, vector<11x2048xbf16>, vector<64x2048xf32> -> vector<64x2048xf32>
    %add3A_658 = vector.broadcast %get3A_605 : vector<64x1xf32> to vector<64x2048xf32>
    %add3A_659 = arith.addf %dot_general3A_657, %add3A_658 : vector<64x2048xf32>
    %reduce_sum3A_660 = arith.constant dense<0.000000e+00> : vector<64xf32>
    %reduce_sum3A_661 = vector.multi_reduction <add>, %add3A_659, %reduce_sum3A_660 [1] : vector<64x2048xf32> to vector<64xf32>
    %broadcast_in_dim3A_662 = vector.shape_cast %reduce_sum3A_661 : vector<64xf32> to vector<64x1xf32>
    %add3A_663 = arith.addf %add3A_648, %broadcast_in_dim3A_662 : vector<64x1xf32>
    %mul3A_664 = arith.mulf %add3A_659, %add3A_659 : vector<64x2048xf32>
    %reduce_sum3A_665 = arith.constant dense<0.000000e+00> : vector<64xf32>
    %reduce_sum3A_666 = vector.multi_reduction <add>, %mul3A_664, %reduce_sum3A_665 [1] : vector<64x2048xf32> to vector<64xf32>
    %broadcast_in_dim3A_667 = vector.shape_cast %reduce_sum3A_666 : vector<64xf32> to vector<64x1xf32>
    %add3A_668 = arith.addf %add3A_653, %broadcast_in_dim3A_667 : vector<64x1xf32>
    %slice3A_669 = vector.extract_strided_slice %concatenate3A_596 {offsets = [44, 0], sizes = [11, 2048], strides = [1, 1]} : vector<104x2048xf32> to vector<11x2048xf32>
    %convert_element_type3A_670 = arith.truncf %slice3A_669 : vector<11x2048xf32> to vector<11x2048xbf16>
    %dot_general3A_671 = arith.constant dense<0.000000e+00> : vector<64x2048xf32>
    %dot_general3A_672 = tpu.matmul %convert_element_type3A_602, %convert_element_type3A_670, %dot_general3A_671 {dimension_numbers = #tpu.dot_dimension_numbers<[1], [0], [0], [1], [0, 0, 1, 1], [], []>, transpose_lhs_hint = false} : vector<64x11xbf16>, vector<11x2048xbf16>, vector<64x2048xf32> -> vector<64x2048xf32>
    %add3A_673 = vector.broadcast %get3A_605 : vector<64x1xf32> to vector<64x2048xf32>
    %add3A_674 = arith.addf %dot_general3A_672, %add3A_673 : vector<64x2048xf32>
    %reduce_sum3A_675 = arith.constant dense<0.000000e+00> : vector<64xf32>
    %reduce_sum3A_676 = vector.multi_reduction <add>, %add3A_674, %reduce_sum3A_675 [1] : vector<64x2048xf32> to vector<64xf32>
    %broadcast_in_dim3A_677 = vector.shape_cast %reduce_sum3A_676 : vector<64xf32> to vector<64x1xf32>
    %add3A_678 = arith.addf %add3A_663, %broadcast_in_dim3A_677 : vector<64x1xf32>
    %mul3A_679 = arith.mulf %add3A_674, %add3A_674 : vector<64x2048xf32>
    %reduce_sum3A_680 = arith.constant dense<0.000000e+00> : vector<64xf32>
    %reduce_sum3A_681 = vector.multi_reduction <add>, %mul3A_679, %reduce_sum3A_680 [1] : vector<64x2048xf32> to vector<64xf32>
    %broadcast_in_dim3A_682 = vector.shape_cast %reduce_sum3A_681 : vector<64xf32> to vector<64x1xf32>
    %add3A_683 = arith.addf %add3A_668, %broadcast_in_dim3A_682 : vector<64x1xf32>
    %slice3A_684 = vector.extract_strided_slice %concatenate3A_596 {offsets = [55, 0], sizes = [11, 2048], strides = [1, 1]} : vector<104x2048xf32> to vector<11x2048xf32>
    %convert_element_type3A_685 = arith.truncf %slice3A_684 : vector<11x2048xf32> to vector<11x2048xbf16>
    %dot_general3A_686 = arith.constant dense<0.000000e+00> : vector<64x2048xf32>
    %dot_general3A_687 = tpu.matmul %convert_element_type3A_602, %convert_element_type3A_685, %dot_general3A_686 {dimension_numbers = #tpu.dot_dimension_numbers<[1], [0], [0], [1], [0, 0, 1, 1], [], []>, transpose_lhs_hint = false} : vector<64x11xbf16>, vector<11x2048xbf16>, vector<64x2048xf32> -> vector<64x2048xf32>
    %add3A_688 = vector.broadcast %get3A_605 : vector<64x1xf32> to vector<64x2048xf32>
    %add3A_689 = arith.addf %dot_general3A_687, %add3A_688 : vector<64x2048xf32>
    %reduce_sum3A_690 = arith.constant dense<0.000000e+00> : vector<64xf32>
    %reduce_sum3A_691 = vector.multi_reduction <add>, %add3A_689, %reduce_sum3A_690 [1] : vector<64x2048xf32> to vector<64xf32>
    %broadcast_in_dim3A_692 = vector.shape_cast %reduce_sum3A_691 : vector<64xf32> to vector<64x1xf32>
    %add3A_693 = arith.addf %add3A_678, %broadcast_in_dim3A_692 : vector<64x1xf32>
    %mul3A_694 = arith.mulf %add3A_689, %add3A_689 : vector<64x2048xf32>
    %reduce_sum3A_695 = arith.constant dense<0.000000e+00> : vector<64xf32>
    %reduce_sum3A_696 = vector.multi_reduction <add>, %mul3A_694, %reduce_sum3A_695 [1] : vector<64x2048xf32> to vector<64xf32>
    %broadcast_in_dim3A_697 = vector.shape_cast %reduce_sum3A_696 : vector<64xf32> to vector<64x1xf32>
    %add3A_698 = arith.addf %add3A_683, %broadcast_in_dim3A_697 : vector<64x1xf32>
    %slice3A_699 = vector.extract_strided_slice %concatenate3A_596 {offsets = [66, 0], sizes = [11, 2048], strides = [1, 1]} : vector<104x2048xf32> to vector<11x2048xf32>
    %convert_element_type3A_700 = arith.truncf %slice3A_699 : vector<11x2048xf32> to vector<11x2048xbf16>
    %dot_general3A_701 = arith.constant dense<0.000000e+00> : vector<64x2048xf32>
    %dot_general3A_702 = tpu.matmul %convert_element_type3A_602, %convert_element_type3A_700, %dot_general3A_701 {dimension_numbers = #tpu.dot_dimension_numbers<[1], [0], [0], [1], [0, 0, 1, 1], [], []>, transpose_lhs_hint = false} : vector<64x11xbf16>, vector<11x2048xbf16>, vector<64x2048xf32> -> vector<64x2048xf32>
    %add3A_703 = vector.broadcast %get3A_605 : vector<64x1xf32> to vector<64x2048xf32>
    %add3A_704 = arith.addf %dot_general3A_702, %add3A_703 : vector<64x2048xf32>
    %reduce_sum3A_705 = arith.constant dense<0.000000e+00> : vector<64xf32>
    %reduce_sum3A_706 = vector.multi_reduction <add>, %add3A_704, %reduce_sum3A_705 [1] : vector<64x2048xf32> to vector<64xf32>
    %broadcast_in_dim3A_707 = vector.shape_cast %reduce_sum3A_706 : vector<64xf32> to vector<64x1xf32>
    %add3A_708 = arith.addf %add3A_693, %broadcast_in_dim3A_707 : vector<64x1xf32>
    %mul3A_709 = arith.mulf %add3A_704, %add3A_704 : vector<64x2048xf32>
    %reduce_sum3A_710 = arith.constant dense<0.000000e+00> : vector<64xf32>
    %reduce_sum3A_711 = vector.multi_reduction <add>, %mul3A_709, %reduce_sum3A_710 [1] : vector<64x2048xf32> to vector<64xf32>
    %broadcast_in_dim3A_712 = vector.shape_cast %reduce_sum3A_711 : vector<64xf32> to vector<64x1xf32>
    %add3A_713 = arith.addf %add3A_698, %broadcast_in_dim3A_712 : vector<64x1xf32>
    %slice3A_714 = vector.extract_strided_slice %concatenate3A_596 {offsets = [77, 0], sizes = [11, 2048], strides = [1, 1]} : vector<104x2048xf32> to vector<11x2048xf32>
    %convert_element_type3A_715 = arith.truncf %slice3A_714 : vector<11x2048xf32> to vector<11x2048xbf16>
    %dot_general3A_716 = arith.constant dense<0.000000e+00> : vector<64x2048xf32>
    %dot_general3A_717 = tpu.matmul %convert_element_type3A_602, %convert_element_type3A_715, %dot_general3A_716 {dimension_numbers = #tpu.dot_dimension_numbers<[1], [0], [0], [1], [0, 0, 1, 1], [], []>, transpose_lhs_hint = false} : vector<64x11xbf16>, vector<11x2048xbf16>, vector<64x2048xf32> -> vector<64x2048xf32>
    %add3A_718 = vector.broadcast %get3A_605 : vector<64x1xf32> to vector<64x2048xf32>
    %add3A_719 = arith.addf %dot_general3A_717, %add3A_718 : vector<64x2048xf32>
    %reduce_sum3A_720 = arith.constant dense<0.000000e+00> : vector<64xf32>
    %reduce_sum3A_721 = vector.multi_reduction <add>, %add3A_719, %reduce_sum3A_720 [1] : vector<64x2048xf32> to vector<64xf32>
    %broadcast_in_dim3A_722 = vector.shape_cast %reduce_sum3A_721 : vector<64xf32> to vector<64x1xf32>
    %add3A_723 = arith.addf %add3A_708, %broadcast_in_dim3A_722 : vector<64x1xf32>
    %mul3A_724 = arith.mulf %add3A_719, %add3A_719 : vector<64x2048xf32>
    %reduce_sum3A_725 = arith.constant dense<0.000000e+00> : vector<64xf32>
    %reduce_sum3A_726 = vector.multi_reduction <add>, %mul3A_724, %reduce_sum3A_725 [1] : vector<64x2048xf32> to vector<64xf32>
    %broadcast_in_dim3A_727 = vector.shape_cast %reduce_sum3A_726 : vector<64xf32> to vector<64x1xf32>
    %add3A_728 = arith.addf %add3A_713, %broadcast_in_dim3A_727 : vector<64x1xf32>
    %slice3A_729 = vector.extract_strided_slice %concatenate3A_596 {offsets = [88, 0], sizes = [11, 2048], strides = [1, 1]} : vector<104x2048xf32> to vector<11x2048xf32>
    %convert_element_type3A_730 = arith.truncf %slice3A_729 : vector<11x2048xf32> to vector<11x2048xbf16>
    %dot_general3A_731 = arith.constant dense<0.000000e+00> : vector<64x2048xf32>
    %dot_general3A_732 = tpu.matmul %convert_element_type3A_602, %convert_element_type3A_730, %dot_general3A_731 {dimension_numbers = #tpu.dot_dimension_numbers<[1], [0], [0], [1], [0, 0, 1, 1], [], []>, transpose_lhs_hint = false} : vector<64x11xbf16>, vector<11x2048xbf16>, vector<64x2048xf32> -> vector<64x2048xf32>
    %add3A_733 = vector.broadcast %get3A_605 : vector<64x1xf32> to vector<64x2048xf32>
    %add3A_734 = arith.addf %dot_general3A_732, %add3A_733 : vector<64x2048xf32>
    %reduce_sum3A_735 = arith.constant dense<0.000000e+00> : vector<64xf32>
    %reduce_sum3A_736 = vector.multi_reduction <add>, %add3A_734, %reduce_sum3A_735 [1] : vector<64x2048xf32> to vector<64xf32>
    %broadcast_in_dim3A_737 = vector.shape_cast %reduce_sum3A_736 : vector<64xf32> to vector<64x1xf32>
    %add3A_738 = arith.addf %add3A_723, %broadcast_in_dim3A_737 : vector<64x1xf32>
    %mul3A_739 = arith.mulf %add3A_734, %add3A_734 : vector<64x2048xf32>
    %reduce_sum3A_740 = arith.constant dense<0.000000e+00> : vector<64xf32>
    %reduce_sum3A_741 = vector.multi_reduction <add>, %mul3A_739, %reduce_sum3A_740 [1] : vector<64x2048xf32> to vector<64xf32>
    %broadcast_in_dim3A_742 = vector.shape_cast %reduce_sum3A_741 : vector<64xf32> to vector<64x1xf32>
    %add3A_743 = arith.addf %add3A_728, %broadcast_in_dim3A_742 : vector<64x1xf32>
    %broadcast_in_dim3A_744 = arith.constant 0.000000e+00 : f32
    %broadcast_in_dim3A_745 = vector.broadcast %broadcast_in_dim3A_744 : f32 to vector<64x126xf32>
    %concatenate3A_746 = tpu.concatenate %add3A_738, %add3A_743, %broadcast_in_dim3A_745 in 1 : vector<64x1xf32>, vector<64x1xf32>, vector<64x126xf32> -> vector<64x128xf32>
    %eq3A_747 = arith.constant 0 : i32
    %eq3A_748 = arith.cmpi eq, %arg0, %eq3A_747 : i32
    %convert_element_type3A_749 = arith.extui %eq3A_748 : i1 to i32
    %cond3A = arith.constant 0 : i32
    %cond3A_750 = arith.cmpi ne, %convert_element_type3A_749, %cond3A : i32
    scf.if %cond3A_750 {
      %broadcast_in_dim3A_758 = arith.constant 0.000000e+00 : f32
      %broadcast_in_dim3A_759 = vector.broadcast %broadcast_in_dim3A_758 : f32 to vector<64x128xf32>
      %swap3A_760 = arith.constant 0 : index
      %swap3A_761 = arith.constant 0 : index
      %swap3A_762 = vector.load %arg5[%swap3A_760, %swap3A_761] : memref<64x128xf32, #tpu.memory_space<vmem>>, vector<64x128xf32>
      tpu.vector_store %arg5[%swap3A_760, %swap3A_761], %broadcast_in_dim3A_759 {strides = array<i32>} : memref<64x128xf32, #tpu.memory_space<vmem>>, vector<64x128xf32>,
    } else {
    }
    %get3A_751 = arith.constant 0 : index
    %get3A_752 = arith.constant 0 : index
    %get3A_753 = vector.load %arg5[%get3A_751, %get3A_752] : memref<64x128xf32, #tpu.memory_space<vmem>>, vector<64x128xf32>
    %add3A_754 = arith.addf %get3A_753, %concatenate3A_746 : vector<64x128xf32>
    %swap3A_755 = arith.constant 0 : index
    %swap3A_756 = arith.constant 0 : index
    %swap3A_757 = vector.load %arg5[%swap3A_755, %swap3A_756] : memref<64x128xf32, #tpu.memory_space<vmem>>, vector<64x128xf32>
    tpu.vector_store %arg5[%swap3A_755, %swap3A_756], %add3A_754 {strides = array<i32>} : memref<64x128xf32, #tpu.memory_space<vmem>>, vector<64x128xf32>,
    return
  }
  func.func @transform_0(%arg0: i32) -> (i32, i32) {
    %c0_i32 = arith.constant 0 : i32
    %c0_i32_0 = arith.constant 0 : i32
    return %c0_i32, %arg0 : i32, i32
  }
  func.func @transform_1(%arg0: i32) -> (i32, i32) {
    %c0_i32 = arith.constant 0 : i32
    %c0_i32_0 = arith.constant 0 : i32
    %c0_i32_1 = arith.constant 0 : i32
    return %c0_i32, %c0_i32_0 : i32, i32
  }
  func.func @transform_2(%arg0: i32) -> (i32, i32) {
    %c0_i32 = arith.constant 0 : i32
    %c0_i32_0 = arith.constant 0 : i32
    %c0_i32_1 = arith.constant 0 : i32
    return %c0_i32, %c0_i32_0 : i32, i32
  }
  func.func @transform_3(%arg0: i32) -> (i32, i32) {
    %c0_i32 = arith.constant 0 : i32
    %c0_i32_0 = arith.constant 0 : i32
    return %c0_i32, %arg0 : i32, i32
  }
  func.func @transform_4(%arg0: i32) -> (i32, i32) {
    %c0_i32 = arith.constant 0 : i32
    %c0_i32_0 = arith.constant 0 : i32
    %c0_i32_1 = arith.constant 0 : i32
    return %c0_i32, %c0_i32_0 : i32, i32
  }
}

module attributes {stable_mosaic.version = 14 : i64} {
  func.func @_k3_body(%arg0: i32, %arg1: memref<104x2048xf32, #tpu.memory_space<vmem>>, %arg2: memref<64x11xf32, #tpu.memory_space<vmem>>, %arg3: memref<64x1xf32, #tpu.memory_space<vmem>>, %arg4: memref<64x64xf32, #tpu.memory_space<vmem>>, %arg5: memref<64x1xf32, #tpu.memory_space<vmem>>, %arg6: memref<64x2048xf32, #tpu.memory_space<vmem>>) attributes {dimension_semantics = [#tpu.dimension_semantics<arbitrary>], iteration_bounds = array<i64: 8>, scalar_prefetch = 0 : i64, scratch_operands = 0 : i64, tpu.core_type = #tpu.core_type<tc>, window_params = [{transform_indices = @transform_0, window_bounds = array<i64: 104, 2048>}, {pipeline_mode = #tpu.pipeline_mode<synchronous>, transform_indices = @transform_1, window_bounds = array<i64: 64, 11>}, {pipeline_mode = #tpu.pipeline_mode<synchronous>, transform_indices = @transform_2, window_bounds = array<i64: 64, 1>}, {pipeline_mode = #tpu.pipeline_mode<synchronous>, transform_indices = @transform_3, window_bounds = array<i64: 64, 64>}, {pipeline_mode = #tpu.pipeline_mode<synchronous>, transform_indices = @transform_4, window_bounds = array<i64: 64, 1>}, {transform_indices = @transform_5, window_bounds = array<i64: 64, 2048>}]} {
    %get3A = arith.constant 0 : index
    %get3A_0 = arith.constant 0 : index
    %get3A_1 = vector.load %arg2[%get3A, %get3A_0] : memref<64x11xf32, #tpu.memory_space<vmem>>, vector<64x11xf32>
    %convert_element_type3A = arith.truncf %get3A_1 : vector<64x11xf32> to vector<64x11xbf16>
    %get3A_2 = arith.constant 0 : index
    %get3A_3 = arith.constant 0 : index
    %get3A_4 = vector.load %arg3[%get3A_2, %get3A_3] : memref<64x1xf32, #tpu.memory_space<vmem>>, vector<64x1xf32>
    %broadcast_in_dim3A = arith.constant 0.000000e+00 : f32
    %broadcast_in_dim3A_5 = vector.broadcast %broadcast_in_dim3A : f32 to vector<64x2048xf32>
    %get3A_6 = arith.constant 0 : index
    %get3A_7 = arith.constant 0 : index
    %get3A_8 = vector.load %arg1[%get3A_6, %get3A_7] : memref<104x2048xf32, #tpu.memory_space<vmem>>, vector<11x2048xf32>
    %convert_element_type3A_9 = arith.truncf %get3A_8 : vector<11x2048xf32> to vector<11x2048xbf16>
    %dot_general3A = arith.constant dense<0.000000e+00> : vector<64x2048xf32>
    %dot_general3A_10 = tpu.matmul %convert_element_type3A, %convert_element_type3A_9, %dot_general3A {dimension_numbers = #tpu.dot_dimension_numbers<[1], [0], [0], [1], [0, 0, 1, 1], [], []>, transpose_lhs_hint = false} : vector<64x11xbf16>, vector<11x2048xbf16>, vector<64x2048xf32> -> vector<64x2048xf32>
    %add3A = vector.broadcast %get3A_4 : vector<64x1xf32> to vector<64x2048xf32>
    %add3A_11 = arith.addf %dot_general3A_10, %add3A : vector<64x2048xf32>
    %max3A = arith.constant 0.000000e+00 : f32
    %max3A_12 = vector.broadcast %max3A : f32 to vector<64x2048xf32>
    %max3A_13 = arith.maximumf %add3A_11, %max3A_12 : vector<64x2048xf32>
    %add3A_14 = arith.addf %broadcast_in_dim3A_5, %max3A_13 : vector<64x2048xf32>
    %get3A_15 = arith.constant 11 : index
    %get3A_16 = arith.constant 0 : index
    %get3A_17 = vector.load %arg1[%get3A_15, %get3A_16] : memref<104x2048xf32, #tpu.memory_space<vmem>>, vector<11x2048xf32>
    %convert_element_type3A_18 = arith.truncf %get3A_17 : vector<11x2048xf32> to vector<11x2048xbf16>
    %dot_general3A_19 = arith.constant dense<0.000000e+00> : vector<64x2048xf32>
    %dot_general3A_20 = tpu.matmul %convert_element_type3A, %convert_element_type3A_18, %dot_general3A_19 {dimension_numbers = #tpu.dot_dimension_numbers<[1], [0], [0], [1], [0, 0, 1, 1], [], []>, transpose_lhs_hint = false} : vector<64x11xbf16>, vector<11x2048xbf16>, vector<64x2048xf32> -> vector<64x2048xf32>
    %add3A_21 = vector.broadcast %get3A_4 : vector<64x1xf32> to vector<64x2048xf32>
    %add3A_22 = arith.addf %dot_general3A_20, %add3A_21 : vector<64x2048xf32>
    %max3A_23 = arith.constant 0.000000e+00 : f32
    %max3A_24 = vector.broadcast %max3A_23 : f32 to vector<64x2048xf32>
    %max3A_25 = arith.maximumf %add3A_22, %max3A_24 : vector<64x2048xf32>
    %add3A_26 = arith.addf %add3A_14, %max3A_25 : vector<64x2048xf32>
    %get3A_27 = arith.constant 22 : index
    %get3A_28 = arith.constant 0 : index
    %get3A_29 = vector.load %arg1[%get3A_27, %get3A_28] : memref<104x2048xf32, #tpu.memory_space<vmem>>, vector<11x2048xf32>
    %convert_element_type3A_30 = arith.truncf %get3A_29 : vector<11x2048xf32> to vector<11x2048xbf16>
    %dot_general3A_31 = arith.constant dense<0.000000e+00> : vector<64x2048xf32>
    %dot_general3A_32 = tpu.matmul %convert_element_type3A, %convert_element_type3A_30, %dot_general3A_31 {dimension_numbers = #tpu.dot_dimension_numbers<[1], [0], [0], [1], [0, 0, 1, 1], [], []>, transpose_lhs_hint = false} : vector<64x11xbf16>, vector<11x2048xbf16>, vector<64x2048xf32> -> vector<64x2048xf32>
    %add3A_33 = vector.broadcast %get3A_4 : vector<64x1xf32> to vector<64x2048xf32>
    %add3A_34 = arith.addf %dot_general3A_32, %add3A_33 : vector<64x2048xf32>
    %max3A_35 = arith.constant 0.000000e+00 : f32
    %max3A_36 = vector.broadcast %max3A_35 : f32 to vector<64x2048xf32>
    %max3A_37 = arith.maximumf %add3A_34, %max3A_36 : vector<64x2048xf32>
    %add3A_38 = arith.addf %add3A_26, %max3A_37 : vector<64x2048xf32>
    %get3A_39 = arith.constant 33 : index
    %get3A_40 = arith.constant 0 : index
    %get3A_41 = vector.load %arg1[%get3A_39, %get3A_40] : memref<104x2048xf32, #tpu.memory_space<vmem>>, vector<11x2048xf32>
    %convert_element_type3A_42 = arith.truncf %get3A_41 : vector<11x2048xf32> to vector<11x2048xbf16>
    %dot_general3A_43 = arith.constant dense<0.000000e+00> : vector<64x2048xf32>
    %dot_general3A_44 = tpu.matmul %convert_element_type3A, %convert_element_type3A_42, %dot_general3A_43 {dimension_numbers = #tpu.dot_dimension_numbers<[1], [0], [0], [1], [0, 0, 1, 1], [], []>, transpose_lhs_hint = false} : vector<64x11xbf16>, vector<11x2048xbf16>, vector<64x2048xf32> -> vector<64x2048xf32>
    %add3A_45 = vector.broadcast %get3A_4 : vector<64x1xf32> to vector<64x2048xf32>
    %add3A_46 = arith.addf %dot_general3A_44, %add3A_45 : vector<64x2048xf32>
    %max3A_47 = arith.constant 0.000000e+00 : f32
    %max3A_48 = vector.broadcast %max3A_47 : f32 to vector<64x2048xf32>
    %max3A_49 = arith.maximumf %add3A_46, %max3A_48 : vector<64x2048xf32>
    %add3A_50 = arith.addf %add3A_38, %max3A_49 : vector<64x2048xf32>
    %get3A_51 = arith.constant 44 : index
    %get3A_52 = arith.constant 0 : index
    %get3A_53 = vector.load %arg1[%get3A_51, %get3A_52] : memref<104x2048xf32, #tpu.memory_space<vmem>>, vector<11x2048xf32>
    %convert_element_type3A_54 = arith.truncf %get3A_53 : vector<11x2048xf32> to vector<11x2048xbf16>
    %dot_general3A_55 = arith.constant dense<0.000000e+00> : vector<64x2048xf32>
    %dot_general3A_56 = tpu.matmul %convert_element_type3A, %convert_element_type3A_54, %dot_general3A_55 {dimension_numbers = #tpu.dot_dimension_numbers<[1], [0], [0], [1], [0, 0, 1, 1], [], []>, transpose_lhs_hint = false} : vector<64x11xbf16>, vector<11x2048xbf16>, vector<64x2048xf32> -> vector<64x2048xf32>
    %add3A_57 = vector.broadcast %get3A_4 : vector<64x1xf32> to vector<64x2048xf32>
    %add3A_58 = arith.addf %dot_general3A_56, %add3A_57 : vector<64x2048xf32>
    %max3A_59 = arith.constant 0.000000e+00 : f32
    %max3A_60 = vector.broadcast %max3A_59 : f32 to vector<64x2048xf32>
    %max3A_61 = arith.maximumf %add3A_58, %max3A_60 : vector<64x2048xf32>
    %add3A_62 = arith.addf %add3A_50, %max3A_61 : vector<64x2048xf32>
    %get3A_63 = arith.constant 55 : index
    %get3A_64 = arith.constant 0 : index
    %get3A_65 = vector.load %arg1[%get3A_63, %get3A_64] : memref<104x2048xf32, #tpu.memory_space<vmem>>, vector<11x2048xf32>
    %convert_element_type3A_66 = arith.truncf %get3A_65 : vector<11x2048xf32> to vector<11x2048xbf16>
    %dot_general3A_67 = arith.constant dense<0.000000e+00> : vector<64x2048xf32>
    %dot_general3A_68 = tpu.matmul %convert_element_type3A, %convert_element_type3A_66, %dot_general3A_67 {dimension_numbers = #tpu.dot_dimension_numbers<[1], [0], [0], [1], [0, 0, 1, 1], [], []>, transpose_lhs_hint = false} : vector<64x11xbf16>, vector<11x2048xbf16>, vector<64x2048xf32> -> vector<64x2048xf32>
    %add3A_69 = vector.broadcast %get3A_4 : vector<64x1xf32> to vector<64x2048xf32>
    %add3A_70 = arith.addf %dot_general3A_68, %add3A_69 : vector<64x2048xf32>
    %max3A_71 = arith.constant 0.000000e+00 : f32
    %max3A_72 = vector.broadcast %max3A_71 : f32 to vector<64x2048xf32>
    %max3A_73 = arith.maximumf %add3A_70, %max3A_72 : vector<64x2048xf32>
    %add3A_74 = arith.addf %add3A_62, %max3A_73 : vector<64x2048xf32>
    %get3A_75 = arith.constant 66 : index
    %get3A_76 = arith.constant 0 : index
    %get3A_77 = vector.load %arg1[%get3A_75, %get3A_76] : memref<104x2048xf32, #tpu.memory_space<vmem>>, vector<11x2048xf32>
    %convert_element_type3A_78 = arith.truncf %get3A_77 : vector<11x2048xf32> to vector<11x2048xbf16>
    %dot_general3A_79 = arith.constant dense<0.000000e+00> : vector<64x2048xf32>
    %dot_general3A_80 = tpu.matmul %convert_element_type3A, %convert_element_type3A_78, %dot_general3A_79 {dimension_numbers = #tpu.dot_dimension_numbers<[1], [0], [0], [1], [0, 0, 1, 1], [], []>, transpose_lhs_hint = false} : vector<64x11xbf16>, vector<11x2048xbf16>, vector<64x2048xf32> -> vector<64x2048xf32>
    %add3A_81 = vector.broadcast %get3A_4 : vector<64x1xf32> to vector<64x2048xf32>
    %add3A_82 = arith.addf %dot_general3A_80, %add3A_81 : vector<64x2048xf32>
    %max3A_83 = arith.constant 0.000000e+00 : f32
    %max3A_84 = vector.broadcast %max3A_83 : f32 to vector<64x2048xf32>
    %max3A_85 = arith.maximumf %add3A_82, %max3A_84 : vector<64x2048xf32>
    %add3A_86 = arith.addf %add3A_74, %max3A_85 : vector<64x2048xf32>
    %get3A_87 = arith.constant 77 : index
    %get3A_88 = arith.constant 0 : index
    %get3A_89 = vector.load %arg1[%get3A_87, %get3A_88] : memref<104x2048xf32, #tpu.memory_space<vmem>>, vector<11x2048xf32>
    %convert_element_type3A_90 = arith.truncf %get3A_89 : vector<11x2048xf32> to vector<11x2048xbf16>
    %dot_general3A_91 = arith.constant dense<0.000000e+00> : vector<64x2048xf32>
    %dot_general3A_92 = tpu.matmul %convert_element_type3A, %convert_element_type3A_90, %dot_general3A_91 {dimension_numbers = #tpu.dot_dimension_numbers<[1], [0], [0], [1], [0, 0, 1, 1], [], []>, transpose_lhs_hint = false} : vector<64x11xbf16>, vector<11x2048xbf16>, vector<64x2048xf32> -> vector<64x2048xf32>
    %add3A_93 = vector.broadcast %get3A_4 : vector<64x1xf32> to vector<64x2048xf32>
    %add3A_94 = arith.addf %dot_general3A_92, %add3A_93 : vector<64x2048xf32>
    %max3A_95 = arith.constant 0.000000e+00 : f32
    %max3A_96 = vector.broadcast %max3A_95 : f32 to vector<64x2048xf32>
    %max3A_97 = arith.maximumf %add3A_94, %max3A_96 : vector<64x2048xf32>
    %add3A_98 = arith.addf %add3A_86, %max3A_97 : vector<64x2048xf32>
    %get3A_99 = arith.constant 88 : index
    %get3A_100 = arith.constant 0 : index
    %get3A_101 = vector.load %arg1[%get3A_99, %get3A_100] : memref<104x2048xf32, #tpu.memory_space<vmem>>, vector<11x2048xf32>
    %convert_element_type3A_102 = arith.truncf %get3A_101 : vector<11x2048xf32> to vector<11x2048xbf16>
    %dot_general3A_103 = arith.constant dense<0.000000e+00> : vector<64x2048xf32>
    %dot_general3A_104 = tpu.matmul %convert_element_type3A, %convert_element_type3A_102, %dot_general3A_103 {dimension_numbers = #tpu.dot_dimension_numbers<[1], [0], [0], [1], [0, 0, 1, 1], [], []>, transpose_lhs_hint = false} : vector<64x11xbf16>, vector<11x2048xbf16>, vector<64x2048xf32> -> vector<64x2048xf32>
    %add3A_105 = vector.broadcast %get3A_4 : vector<64x1xf32> to vector<64x2048xf32>
    %add3A_106 = arith.addf %dot_general3A_104, %add3A_105 : vector<64x2048xf32>
    %max3A_107 = arith.constant 0.000000e+00 : f32
    %max3A_108 = vector.broadcast %max3A_107 : f32 to vector<64x2048xf32>
    %max3A_109 = arith.maximumf %add3A_106, %max3A_108 : vector<64x2048xf32>
    %add3A_110 = arith.addf %add3A_98, %max3A_109 : vector<64x2048xf32>
    %get3A_111 = arith.constant 0 : index
    %get3A_112 = arith.constant 0 : index
    %get3A_113 = vector.load %arg4[%get3A_111, %get3A_112] : memref<64x64xf32, #tpu.memory_space<vmem>>, vector<64x64xf32>
    %convert_element_type3A_114 = arith.truncf %get3A_113 : vector<64x64xf32> to vector<64x64xbf16>
    %convert_element_type3A_115 = arith.truncf %add3A_110 : vector<64x2048xf32> to vector<64x2048xbf16>
    %dot_general3A_116 = arith.constant dense<0.000000e+00> : vector<64x2048xf32>
    %dot_general3A_117 = tpu.matmul %convert_element_type3A_114, %convert_element_type3A_115, %dot_general3A_116 {dimension_numbers = #tpu.dot_dimension_numbers<[1], [0], [0], [1], [0, 0, 1, 1], [], []>, transpose_lhs_hint = false} : vector<64x64xbf16>, vector<64x2048xbf16>, vector<64x2048xf32> -> vector<64x2048xf32>
    %get3A_118 = arith.constant 0 : index
    %get3A_119 = arith.constant 0 : index
    %get3A_120 = vector.load %arg5[%get3A_118, %get3A_119] : memref<64x1xf32, #tpu.memory_space<vmem>>, vector<64x1xf32>
    %add3A_121 = vector.broadcast %get3A_120 : vector<64x1xf32> to vector<64x2048xf32>
    %add3A_122 = arith.addf %dot_general3A_117, %add3A_121 : vector<64x2048xf32>
    %swap3A = arith.constant 0 : index
    %swap3A_123 = arith.constant 0 : index
    %swap3A_124 = vector.load %arg6[%swap3A, %swap3A_123] : memref<64x2048xf32, #tpu.memory_space<vmem>>, vector<64x2048xf32>
    tpu.vector_store %arg6[%swap3A, %swap3A_123], %add3A_122 {strides = array<i32>} : memref<64x2048xf32, #tpu.memory_space<vmem>>, vector<64x2048xf32>,
    return
  }
  func.func @transform_0(%arg0: i32) -> (i32, i32) {
    %c0_i32 = arith.constant 0 : i32
    %c0_i32_0 = arith.constant 0 : i32
    return %c0_i32, %arg0 : i32, i32
  }
  func.func @transform_1(%arg0: i32) -> (i32, i32) {
    %c0_i32 = arith.constant 0 : i32
    %c0_i32_0 = arith.constant 0 : i32
    %c0_i32_1 = arith.constant 0 : i32
    return %c0_i32, %c0_i32_0 : i32, i32
  }
  func.func @transform_2(%arg0: i32) -> (i32, i32) {
    %c0_i32 = arith.constant 0 : i32
    %c0_i32_0 = arith.constant 0 : i32
    %c0_i32_1 = arith.constant 0 : i32
    return %c0_i32, %c0_i32_0 : i32, i32
  }
  func.func @transform_3(%arg0: i32) -> (i32, i32) {
    %c0_i32 = arith.constant 0 : i32
    %c0_i32_0 = arith.constant 0 : i32
    %c0_i32_1 = arith.constant 0 : i32
    return %c0_i32, %c0_i32_0 : i32, i32
  }
  func.func @transform_4(%arg0: i32) -> (i32, i32) {
    %c0_i32 = arith.constant 0 : i32
    %c0_i32_0 = arith.constant 0 : i32
    %c0_i32_1 = arith.constant 0 : i32
    return %c0_i32, %c0_i32_0 : i32, i32
  }
  func.func @transform_5(%arg0: i32) -> (i32, i32) {
    %c0_i32 = arith.constant 0 : i32
    %c0_i32_0 = arith.constant 0 : i32
    return %c0_i32, %arg0 : i32, i32
  }
}

</mosaic_0001>

<sc_bundles>
// kernel: kernel.6.cloned.1.call-start
scs
__scs_entry_jumppad:
0x0: {  	(pc) =	sbr.rel $0x88, $3  }
0x1: {  	(tag) =	ssettag $0x0;
	lr =	simm.s32 $0x1  }
0x2: {  	[smem:$0x3F9A] =	sst lr;
	_ =	strace $0xD0000000  }
0x3: {  	_ = 	snop  }
0x4: {  	_ = 	snop  }
0x5: {  	_ = 	snop  }
0x6: {  	_ = 	snop  }
0x7: {  	_ = 	snop  }
__scs_overlays_trampoline_lowered:
0x8: {  	[smem:$0x3FA9] =	sst s0  }
0x9: {  	[smem:$0x3FAA] =	sst s1  }
0xa: {  	[smem:$0x3FAB] =	sst s2  }
0xb: {  	[smem:$0x3FAC] =	sst s3  }
0xc: {  	[smem:$0x3FAD] =	sst s4  }
0xd: {  	[smem:$0x3FAE] =	sst s5  }
0xe: {  	[smem:$0x3FAF] =	sst s6  }
0xf: {  	[smem:$0x3FB0] =	sst s7  }
0x10: {  	[smem:$0x3FB1] =	sst s8  }
0x11: {  	[smem:$0x3FB2] =	sst s9;
	s0 =	simm.s32 @!p0 $0x0  }
0x12: {  	s1 =	sld [smem:$0x3F98];
	s0 =	simm.s32 @p0 $0x1  }
0x13: {  	[smem:$0x3FB3] =	sst s0;
	s0 =	simm.s32 @!p1 $0x0  }
0x14: {  	s2 =	sld [smem:$0x3F97];
	s0 =	simm.s32 @p1 $0x1  }
0x15: {  	[smem:$0x3FB4] =	sst s0;
	s0 =	simm.s32 @!p2 $0x0  }
0x16: {  	s3 =	sld [smem:$0x3FDB];
	s0 =	simm.s32 @p2 $0x1  }
0x17: {  	s4 =	simm.s32 $0x1BF5;
	[smem:$0x3FB6] =	sst s0  }
0x18: {  	s0 =	sld [smem:$0x3F99];
	_ =	swait.ge [sflag:s4], $0x0  }
0x19: {  	s7 =	sld [smem:$0x3F9A]  }
0x1a: {  	s8 =	sadd.s32 $0xFFFFE003, lr  }
0x1b: {  	s9 =	sadd.s32 $0xFFFFFEF7, lr;
	s5 =	simm.s32 $0xFFFFFFFF;
	p2 =	slt.u32 s8, $0xFFFFF086  }
0x1c: {  	p1 =	slt.u32 s9, $0xF7A;
	s5 =	simm.s32 @!p2 $0x0  }
0x1d: {  	s5 =	simm.s32 @p1 $0x1;
	p0 =	seq.s32 s7, s2  }
0x1e: {  	s7 =	smul.u32 @!p0 $0xF7A, s2;
	p2 =	seq.s32 @!p0 s5, $0x0  }
0x1f: {  	s9 =	smul.u32 $0xF7A, s1;
	s8 =	simm.s32 @!p0 $0x1BF5;
	p2 =	por !p2, p0  }
0x20: {  	[sflag:s8] =	ssyncset.s32 @!p0 $0xFFFFF086;
	s6 =	sadd.s32 @!p0 s3, s7;
	s7 =	simm.s32 @!p0 $0x108  }
0x21: {  	s3 =	sadd.s32 s3, s9;
	s6 =	sadd.s32 @!p0 $0x88, s6;
	s7 =	simm.s32 @p2 $0x1082  }
0x22: {  	[simem:s7], [sflag:s8] =	dma.local @!p0 [hbm:s6], $0xF7A  }
0x23: {  	s9 =	sor.u32 $0xD0000000, s2;
	s6 =	simm.s32 $0x108;
	_ =	swait.ge @!p0 [sflag:s8], $0x0  }
0x24: {  	s3 =	sadd.s32 $0x88, s3;
	s6 =	simm.s32 @!p1 $0x1082;
	[sflag:s4] =	ssyncset.s32 $0xFFFFF086  }
0x25: {  	[simem:s6], [sflag:s4] =	dma.local [hbm:s3], $0xF7A  }
0x26: {  	[smem:$0x3F9A] =	sst s1;
	(tag) =	ssettag s2;
	_ =	strace s9  }
0x27: {  	s1 =	sld [smem:$0x3FAA]  }
0x28: {  	s2 =	sld [smem:$0x3FAB]  }
0x29: {  	s4 =	sld [smem:$0x3FAD]  }
0x2a: {  	p0 =	seq.s32 s5, $0x0;
	s5 =	sld [smem:$0x3FAE]  }
0x2b: {  	s6 =	sld [smem:$0x3FAF]  }
0x2c: {  	s7 =	sld [smem:$0x3FB0]  }
0x2d: {  	s3 =	simm.s32 $0x108;
	s8 =	sld [smem:$0x3FB1]  }
0x2e: {  	s3 =	simm.s32 @!p0 $0x1082;
	s9 =	sld [smem:$0x3FB2]  }
0x2f: {  	lr =	sadd.s32 s0, s3;
	s0 =	sld [smem:$0x3FA9]  }
0x30: {  	s3 =	sld [smem:$0x3FAC]  }
0x31: {  	[smem:$0x3FB5] =	sst s10  }
0x32: {  	s10 =	sld [smem:$0x3FB3];
	_ =	sdelay $0x3  }
0x33: {  	p0 =	seq.s32 s10, $0x1;
	s10 =	sld [smem:$0x3FB5];
	_ =	sdelay $0x3  }
0x34: {  	[smem:$0x3FB5] =	sst s10  }
0x35: {  	s10 =	sld [smem:$0x3FB4];
	_ =	sdelay $0x3  }
0x36: {  	p1 =	seq.s32 s10, $0x1;
	s10 =	sld [smem:$0x3FB5];
	_ =	sdelay $0x3  }
0x37: {  	[smem:$0x3FB5] =	sst s10  }
0x38: {  	s10 =	sld [smem:$0x3FB6]  }
0x39: {  	_ = 	snop;
	(pc) =	sbr.ind lr, $3  }
0x3a: {  	_ = 	snop  }
0x3b: {  	_ = 	snop  }
0x3c: {  	p2 =	seq.s32 s10, $0x1;
	s10 =	sld [smem:$0x3FB5]  }
0x3d: {  	_ =	shalt  }
0x3e: {  	_ =	shalt  }
0x3f: {  	_ =	shalt  }
0x40: {  	_ =	shalt  }
0x41: {  	_ =	shalt  }
0x42: {  	_ =	shalt  }
0x43: {  	_ =	shalt  }
0x44: {  	_ =	shalt  }
0x45: {  	_ =	shalt  }
0x46: {  	_ =	shalt  }
0x47: {  	_ =	shalt  }
0x48: {  	_ =	shalt  }
0x49: {  	_ =	shalt  }
0x4a: {  	_ =	shalt  }
0x4b: {  	_ =	shalt  }
0x4c: {  	_ =	shalt  }
0x4d: {  	_ =	shalt  }
0x4e: {  	_ =	shalt  }
0x4f: {  	_ =	shalt  }
0x50: {  	_ =	shalt  }
0x51: {  	_ =	shalt  }
0x52: {  	_ =	shalt  }
0x53: {  	_ =	shalt  }
0x54: {  	_ =	shalt  }
0x55: {  	_ =	shalt  }
0x56: {  	_ =	shalt  }
0x57: {  	_ =	shalt  }
0x58: {  	_ =	shalt  }
0x59: {  	_ =	shalt  }
0x5a: {  	_ =	shalt  }
0x5b: {  	_ =	shalt  }
0x5c: {  	_ =	shalt  }
0x5d: {  	_ =	shalt  }
0x5e: {  	_ =	shalt  }
0x5f: {  	_ =	shalt  }
0x60: {  	_ =	shalt  }
0x61: {  	_ =	shalt  }
0x62: {  	_ =	shalt  }
0x63: {  	_ =	shalt  }
0x64: {  	_ =	shalt  }
0x65: {  	_ =	shalt  }
0x66: {  	_ =	shalt  }
0x67: {  	_ =	shalt  }
0x68: {  	_ =	shalt  }
0x69: {  	_ =	shalt  }
0x6a: {  	_ =	shalt  }
0x6b: {  	_ =	shalt  }
0x6c: {  	_ =	shalt  }
0x6d: {  	_ =	shalt  }
0x6e: {  	_ =	shalt  }
0x6f: {  	_ =	shalt  }
0x70: {  	_ =	shalt  }
0x71: {  	_ =	shalt  }
0x72: {  	_ =	shalt  }
0x73: {  	_ =	shalt  }
0x74: {  	_ =	shalt  }
0x75: {  	_ =	shalt  }
0x76: {  	_ =	shalt  }
0x77: {  	_ =	shalt  }
0x78: {  	_ =	shalt  }
0x79: {  	_ =	shalt  }
0x7a: {  	_ =	shalt  }
0x7b: {  	_ =	shalt  }
0x7c: {  	_ =	shalt  }
0x7d: {  	_ =	shalt  }
0x7e: {  	_ =	shalt  }
0x7f: {  	_ =	shalt  }
0x80: {  	_ =	shalt  }
0x81: {  	_ =	shalt  }
0x82: {  	_ =	shalt  }
0x83: {  	_ =	shalt  }
0x84: {  	_ =	shalt  }
0x85: {  	_ =	shalt  }
0x86: {  	_ =	shalt  }
0x87: {  	_ =	shalt  }
.Lfunc_end0:
.L_simem_size_0:
called_computation_lowered:
.L_overlay_start_0:
0x88: {  	s2 =	sld [smem:$0x3FD9]  }
0x89: {  	s3 =	sld [smem:$0x3FFE];
	_ =	sdelay $0x1  }
0x8a: {  	s1 =	srdreg.scid  }
0x8b: {  	s0 =	sand.u32 $0x1, s1  }
0x8c: {  	s17 =	sshll.u32 s0, $0xA;
	s2 =	sadd.s32 s3, s2  }
0x8d: {  	s2 =	sadd.s32 s2, s17  }
0x8e: {  	[smem:$0x3FC1] =	sst s2  }
0x8f: {  	_ = 	snop  }
0x90: {  	s2 =	sld [smem:$0x3FD0];
	(tm) =	ssettm $0x1  }
0x91: {  	s18 =	sld [smem:$0x3FFB];
	_ =	sdelay $0x3  }
0x92: {  	_ =	strace s18  }
0x93: {  	s3 =	sld [smem:$0x3FFC];
	_ =	sdelay $0x3  }
0x94: {  	_ =	strace s3  }
0x95: {  	s3 =	sld [smem:$0x3FFD];
	_ =	sdelay $0x3  }
0x96: {  	_ =	strace s3  }
0x97: {  	_ =	strace $0x8FFFFFFF  }
0x98: {  	s19 =	sld [smem:$0x3FDB];
	_ =	sdelay $0x1  }
0x99: {  	s4 =	simm.s32 $_scs_section_size  }
0x9a: {  	s5 =	simm.s32 $_size__tile_overlayer_lowered;
	s6 =	simm.s32 $_tile_overlayer_lowered  }
0x9b: {  	s22 =	simm.s32 $0x1BFF;
	s21 =	sshll.u32 s6, $0x1;
	s3 =	sadd.s32 s4, s19  }
0x9c: {  	s7 =	simm.s32 $0x0;
	s20 =	sshll.u32 s5, $0x1;
	s5 =	sadd.s32 s21, s3  }
0x9d: {  	[timem:s7], [sflag:s22] =	dma.local [hbm:s5], s20  }
0x9e: {  	_ =	swait.ge [sflag:s22], s20  }
0x9f: {  	s4 =	ssub.s32 $0x0, s20;
	[sflag:s22] =	ssyncset.done $0x0  }
0xa0: {  	[sflag:s22] =	ssyncadd.s32 s4;
	_ =	sdelay $0x1  }
0xa1: {  	s23 =	simm.s32 $0x1B8B  }
0xa2: {  	_ =	swait.ge [sflag:s23], $0x1  }
0xa3: {  	[sflag:s23] =	ssyncset.done $0x0  }
0xa4: {  	s25 =	simm.s32 $0x1B8E;
	s24 =	sld [smem:$0x3FFE];
	[sflag:s23] =	ssyncadd.s32 $0xFFFFFFFF  }
0xa5: {  	s26 =	simm.s32 $execute0_lowered;
	[smem:$0x3FD2] =	sst s25  }
0xa6: {  	s5 =	sshll.u32 s26, $0x1;
	_ =	strace $0x80000046;
	[dreg:$0x1] =	wrdreg $0xFFFFFFFF  }
0xa7: {  	s28 =	simm.s32 $_size_execute0_lowered;
	s3 =	sadd.s32 s3, s5;
	[dreg:$0x0] =	wrdreg $0x0  }
0xa8: {  	s5 =	sshll.u32 s28, $0x1;
	[dreg:$0x2] =	wrdreg s3  }
0xa9: {  	[dreg:$0x3] =	wrdreg s5  }
0xaa: {  	[dreg:$0x4] =	wrdreg $0xC0  }
0xab: {  	_ =	task [dreg:s7], $0x5FFFF  }
0xac: {  	[dreg:$0x1] =	wrdreg $0xFFFFFFFF  }
0xad: {  	[dreg:$0x0] =	wrdreg $0x60  }
0xae: {  	[dreg:$0x2] =	wrdreg s24  }
0xaf: {  	[dreg:$0x3] =	wrdreg s2  }
0xb0: {  	[dreg:$0x4] =	wrdreg $0x9  }
0xb1: {  	_ =	task.clear_ibuf [dreg:s7], $0x5FFFF;
	_ =	strace $0x90000046  }
0xb2: {  	s29 =	simm.s32 $0x9;
	_ =	strace $0x80000048  }
0xb3: {  	_ =	swait.ge [sflag:s29], $0x1  }
0xb4: {  	[sflag:s29] =	ssyncadd.s32 $0xFFFFFFFF  }
0xb5: {  	_ =	strace $0x90000048  }
0xb6: {  	_ =	sfence  }
0xb7: {  	s30 =	sld [smem:$0x0];
	_ =	sdelay $0x2  }
0xb8: {  	s31 =	sshll.u32 s1, $0xD;
	s1 =	sshrl.u32 s1, $0x2  }
0xb9: {  	s3 =	sand.u32 $0x4000, s31;
	s1 =	sadd.s32 s1, s30  }
0xba: {  	s0 =	sor.u32 s3, s0;
	s1 =	sshll.u32 s1, $0x11  }
0xbb: {  	s0 =	sor.u32 s1, s0  }
0xbc: {  	s0 =	sadd.s32 $0x8F2B, s0  }
0xbd: {  	[sflag:s0] =	ssyncadd.remote.s32 $0x1  }
0xbe: {  	_ =	sfence.sel $0xFFFF  }
0xbf: {  	[dreg:$0x0] =	wrdreg $0xFFFFFFFF;
	(pc) =	sbr.abs _section_cstart, $3  }
0xc0: {  	[dreg:$0x1] =	wrdreg $0xFFFFFFFF  }
0xc1: {  	_ =	task.clear_ibuf [dreg:s7], $0x2FFFF;
	_ =	strace $0x9FFFFFFF  }
0xc2: {  	(tm) =	ssettm $0x7FFFFFFF  }
0xc3: {  	_ =	shalt  }
tec
execute0_lowered:
.L_overlay_start_1:
0x0: {  	(tag) =	ssettag $0x1  }
0x1: {  	s4 =	rddreg [dreg:$0x0]  }
0x2: {  	s0 =	stileid.u32;
	s1 =	srdreg.scid  }
0x3: {  	s6 =	rddreg [dreg:$0x1];
	s5 =	smul.u32 $0x24000, s0  }
0x4: {  	s2 =	simm.s32 $0x0;
	s3 =	sand.u32 $0x1, s1;
	s8 =	smul.u32 $0x2400, s0  }
0x5: {  	s11 =	simm.s32 $0x0;
	s1 =	rddreg [dreg:$0x2];
	s7 =	smul.u32 $0x12000, s3  }
0x6: {  	[smem:$0x7FF] =	sst s2;
	s9 =	ssub.s32 $0x2, s3;
	s10 =	smul.u32 $0x1200, s3  }
0x7: {  	s3 =	sadd.s32 $0x800, s4;
	s4 =	sadd.s32 s5, s4;
	s30 =	sshrl.u32 s9, $0x1  }
0x8: {  	_ =	strace $0x80000047;
	s5 =	ssub.s32 s9, s30;
	s7 =	sadd.s32 s7, s4  }
0x9: {  	s8 =	sadd.s32 s10, s8;
	s9 =	simm.s32 $0x280;
	s10 =	simm.s32 $0x1  }
0xa: {  	s4 =	smax.u32 s5, $0x1;
	s5 =	sadd.s32 $0x40800, s7;
	s31 =	sshrl.u32 s8, $0x3  }
0xb: {  	s7 =	simm.s32 $0x2;
	s8 =	simm.s32 $0x240;
	s6 =	sadd.s32 s31, s6  }
.LBB2_1:
0xc: {  	s12 =	sadd.s32 $0x0, s6  }
0xd: {  	[tilespmem:s2], [sflag:$0x2] =	stream.linear.gather [hbm4b:s12+s2], $0x240, $0x38;
	[tilespmem:$0x12280] =	vst v63  }
0xe: {  	_ =	swait.ge [sflag:s7], $0x240  }
0xf: {  	[sflag:s7] =	ssyncset.done $0x0  }
0x10: {  	[sflag:s7] =	ssyncadd.s32 $0xFFFFFDC0  }
0x11: {  	[tilespmem:s9], [sflag:$0x1] =	stream.indirect.gather [hbm4b:s3+s8], $0x80, s2, s8, $0xb8;
	[tilespmem:$0x12280] =	vst v63  }
0x12: {  	_ =	swait.ge [sflag:s10], $0x12000  }
0x13: {  	[sflag:s10] =	ssyncset.done $0x0  }
0x14: {  	[sflag:s10] =	ssyncadd.s32 $0xFFFEE000  }
0x15: {  	[hbm4b:s5+s2] =	stream.linear.scatter [tilespmem:s9], [sflag:$0x2], $0x12000, $0x38;
	[tilespmem:$0x12280] =	vst v63  }
0x16: {  	s13 =	simm.s32 $0x48;
	_ =	swait.ge [sflag:s7], $0x12000  }
0x17: {  	s14 =	simm.s32 $0x90;
	s12 =	sadd.s32 $0x2400, s5;
	[sflag:s7] =	ssyncset.done $0x0  }
.LBB2_2:
0x18: {  	s15 =	sadd.s32 s13, s6  }
0x19: {  	[sflag:s7] =	ssyncadd.s32 $0xFFFEE000;
	s13 =	smov.u32 s14;
	s16 =	sadd.s32 $0x48, s14  }
0x1a: {  	[tilespmem:s2], [sflag:$0x2] =	stream.linear.gather [hbm4b:s15+s2], $0x240, $0x38;
	[tilespmem:$0x12280] =	vst v63  }
0x1b: {  	p0 =	sne.s32 s14, $0x1F8;
	_ =	swait.ge [sflag:s7], $0x240  }
0x1c: {  	[sflag:s7] =	ssyncset.done $0x0  }
0x1d: {  	[sflag:s7] =	ssyncadd.s32 $0xFFFFFDC0  }
0x1e: {  	[tilespmem:s9], [sflag:$0x1] =	stream.indirect.gather [hbm4b:s3+s8], $0x80, s2, s8, $0xb8;
	[tilespmem:$0x12280] =	vst v63  }
0x1f: {  	_ =	swait.ge [sflag:s10], $0x12000  }
.Ltmp0:
0x20: {  	[sflag:s10] =	ssyncset.done $0x0;
	(pc) =	sbr.rel @p0 .LBB2_2-.Ltmp0, $4  }
0x21: {  	[sflag:s10] =	ssyncadd.s32 $0xFFFEE000  }
0x22: {  	[hbm4b:s12+s2] =	stream.linear.scatter [tilespmem:s9], [sflag:$0x2], $0x12000, $0x38;
	[tilespmem:$0x12280] =	vst v63  }
0x23: {  	_ =	swait.ge [sflag:s7], $0x12000  }
0x24: {  	s14 =	smov.u32 s16;
	s12 =	sadd.s32 $0x2400, s12;
	[sflag:s7] =	ssyncset.done $0x0  }
0x25: {  	s13 =	sadd.s32 s13, s6;
	[sflag:s7] =	ssyncadd.s32 $0xFFFEE000  }
0x26: {  	[tilespmem:s2], [sflag:$0x2] =	stream.linear.gather [hbm4b:s13+s2], $0x240, $0x38;
	[tilespmem:$0x12280] =	vst v63  }
0x27: {  	_ =	swait.ge [sflag:s7], $0x240  }
0x28: {  	[sflag:s7] =	ssyncset.done $0x0  }
0x29: {  	[sflag:s7] =	ssyncadd.s32 $0xFFFFFDC0  }
0x2a: {  	[tilespmem:s9], [sflag:$0x1] =	stream.indirect.gather [hbm4b:s3+s8], $0x80, s2, s8, $0xb8;
	[tilespmem:$0x12280] =	vst v63  }
0x2b: {  	s11 =	sadd.s32 $0x1, s11;
	_ =	swait.ge [sflag:s10], $0x12000  }
0x2c: {  	p0 =	sne.s32 s11, s4;
	[sflag:s10] =	ssyncset.done $0x0  }
.Ltmp1:
0x2d: {  	[sflag:s10] =	ssyncadd.s32 $0xFFFEE000;
	(pc) =	sbr.rel @p0 .LBB2_1-.Ltmp1, $4  }
0x2e: {  	[hbm4b:s12+s2] =	stream.linear.scatter [tilespmem:s9], [sflag:$0x2], $0x12000, $0x38;
	[tilespmem:$0x12280] =	vst v63  }
0x2f: {  	_ =	swait.ge [sflag:s7], $0x12000  }
0x30: {  	[sflag:s7] =	ssyncset.done $0x0  }
0x31: {  	[sflag:s7] =	ssyncadd.s32 $0xFFFEE000  }
0x32: {  	_ =	sfence.sel $0x180000  }
0x33: {  	[bflag:$0x0] =	sbarrier.arrive $0xFFFF  }
0x34: {  	p0 =	sne.s32 s0, $0x0;
	_ =	strace $0x90000047  }
0x35: {  	s0 =	sadd.s32 @!p0 $0x100000, s1;
	[bflag:$0x2] =	sbarrier.arrive $0xFFFF  }
0x36: {  	[sflag:s0] =	ssyncadd.tile.s32 @!p0 $0x1;
	_ =	shalt  }
.Lfunc_end2:
_tile_overlayer_lowered:
.L_overlay_start_2:
0x37: {  	(tag) =	ssettag $0x2  }
0x38: {  	s0 =	rddreg [dreg:$0x0];
	s2 =	stileid.u32  }
0x39: {  	s1 =	rddreg [dreg:$0x1];
	p0 =	sne.s32 s2, $0x0  }
0x3a: {  	s3 =	rddreg [dreg:$0x2];
	[bflag:$0x3] =	sbarrier.arrive $0xFFFF;
	s2 =	simm.s32 @!p0 $0x1C02  }
0x3b: {  	[timem:s3], [sflag:s2] =	dma.local @!p0 [hbm:s0], s1  }
0x3c: {  	s0 =	simm.s32 @!p0 $0x2  }
0x3d: {  	_ =	swait.ge @!p0 [sflag:s0], s1  }
0x3e: {  	s1 =	ssub.s32 @!p0 $0x0, s1;
	[sflag:s0] =	ssyncset.done @!p0 $0x0  }
0x3f: {  	[sflag:s0] =	ssyncadd.s32 @!p0 s1  }
0x40: {  	[bflag:$0x3] =	sbarrier.arrive $0xFFFF  }
0x41: {  	_ =	shalt  }

</sc_bundles>
